<compile_context>
chip_gen: v7x
topology: tpu7x:2x2x1
jax: 0.10.2.dev20260603
libtpu: 0.0.44.dev20260713+nightly
codegen_flags: <defaults>
</compile_context>

<pallas_src>
import functools

import jax
import jax.numpy as jnp
from jax import lax
from jax.experimental import pallas as pl
from jax.experimental.pallas import tpu as pltpu
from jax.experimental.pallas import tpu_sc as plsc

_NKS = 256
_K = 16
_NEG = -1e30

_TOKENS = 4096
_DV = 1024
_R = 1024
_NW = 32
_TPW = _TOKENS // _NW


def _topk16(s, rev_iota):
    vals = []
    idxs = []
    for _ in range(_K):
        m = jnp.max(s, axis=1, keepdims=True)
        masked_rev = jnp.where(s >= m, rev_iota, -1.0)
        p = jnp.max(masked_rev, axis=1, keepdims=True)
        vals.append(m)
        idxs.append(float(_NKS - 1) - p)
        s = jnp.where(masked_rev == p, _NEG, s)
    return jnp.concatenate(vals, axis=1), jnp.concatenate(idxs, axis=1)


def _mm_bf16(x, k):
    dn = (((1,), (1,)), ((), ()))
    return lax.dot_general(x.astype(jnp.bfloat16), k.astype(jnp.bfloat16),
                           dn, preferred_element_type=jnp.float32)


def _tc_body(x_ref, k1_ref, k2_ref, w_ref, idx_ref):
    d2 = x_ref.shape[1] // 2
    x1 = x_ref[:, :d2]
    x2 = x_ref[:, d2:]
    s1 = _mm_bf16(x1, k1_ref[...])
    s2 = _mm_bf16(x2, k2_ref[...])
    rev_iota = float(_NKS - 1) - lax.broadcasted_iota(
        jnp.int32, s1.shape, 1).astype(jnp.float32)
    v1, i1 = _topk16(s1, rev_iota)
    v2, i2 = _topk16(s2, rev_iota)
    prod = jnp.concatenate([v1[:, i:i + 1] * v2 for i in range(_K)], axis=1)
    vp, ip = _topk16(prod, rev_iota)
    sel_i = jnp.floor(ip * (1.0 / _K))
    sel_j = ip - sel_i * _K
    g1 = jnp.zeros_like(ip)
    g2 = jnp.zeros_like(ip)
    for k in range(_K):
        g1 = g1 + jnp.where(sel_i == k, i1[:, k:k + 1], 0.0)
        g2 = g2 + jnp.where(sel_j == k, i2[:, k:k + 1], 0.0)
    vidx = jnp.clip(g1 * _NKS + g2, 0.0, float(_NKS * _NKS - 1))
    e = jnp.exp(vp - vp[:, 0:1])
    w = e / jnp.sum(e, axis=1, keepdims=True)
    w_ref[...] = w
    idx_ref[...] = vidx.astype(jnp.int32)


def _tc_topk(xf, keys1, keys2, interpret=False):
    return pl.pallas_call(
        _tc_body,
        grid=(_TOKENS // _R,),
        in_specs=[
            pl.BlockSpec((_R, 2 * keys1.shape[1]), lambda i: (i, 0)),
            pl.BlockSpec(keys1.shape, lambda i: (0, 0)),
            pl.BlockSpec(keys2.shape, lambda i: (0, 0)),
        ],
        out_specs=[
            pl.BlockSpec((_R, _K), lambda i: (i, 0)),
            pl.BlockSpec((_R, _K), lambda i: (i, 0)),
        ],
        out_shape=[
            jax.ShapeDtypeStruct((_TOKENS, _K), jnp.float32),
            jax.ShapeDtypeStruct((_TOKENS, _K), jnp.int32),
        ],
        interpret=interpret,
    )(xf, keys1, keys2)


def _sc_body(w_hbm, idx_hbm, values_hbm, y_hbm,
             idx_v, w_v, rows_a, rows_b, out_v, sem_a, sem_b):
    cid = lax.axis_index("c")
    sid = lax.axis_index("s")
    wid = sid * 2 + cid
    base = wid * _TPW
    pltpu.sync_copy(idx_hbm.at[pl.ds(base * _K, _TPW * _K)], idx_v)
    pltpu.sync_copy(w_hbm.at[pl.ds(base, _TPW)], w_v)

    def issue(t, buf, sem):
        ivec = idx_v[pl.ds(t * _K, _K)]
        pltpu.async_copy(values_hbm.at[ivec], buf, sem)

    def drain(buf, sem):
        pltpu.make_async_copy(values_hbm.at[idx_v[pl.ds(0, _K)]], buf, sem).wait()

    def compute(t, buf):
        wrow = w_v[t, :]
        ws = [wrow[k] for k in range(_K)]
        tm8 = lax.rem(t, 8)

        def dbody(d, _):
            s = pl.ds(d * _K, _K)
            terms = [ws[k] * buf[k, s] for k in range(_K)]
            while len(terms) > 1:
                terms = [terms[i] + terms[i + 1] for i in range(0, len(terms), 2)]
            out_v[tm8, s] = terms[0]
            return 0

        lax.fori_loop(0, _DV // _K, dbody, 0)

    n_pairs = _TPW // 2

    def pair(p, _):
        t0 = 2 * p
        t1 = t0 + 1
        issue(t1, rows_b, sem_b)
        drain(rows_a, sem_a)
        compute(t0, rows_a)

        @pl.when(p < n_pairs - 1)
        def _():
            issue(t0 + 2, rows_a, sem_a)

        drain(rows_b, sem_b)
        compute(t1, rows_b)

        @pl.when(lax.rem(p, 4) == 3)
        def _():
            off = pl.multiple_of(base + t1 - 7, 8)
            pltpu.sync_copy(out_v, y_hbm.at[pl.ds(off, 8)])

        return 0

    issue(0, rows_a, sem_a)
    lax.fori_loop(0, n_pairs, pair, 0)


def _sc_gather(w, idx_flat, values):
    mesh = plsc.VectorSubcoreMesh(core_axis_name="c", subcore_axis_name="s")
    fn = pl.kernel(
        _sc_body,
        out_type=jax.ShapeDtypeStruct((_TOKENS, _DV), jnp.float32),
        mesh=mesh,
        scratch_types=[
            pltpu.VMEM((_TPW * _K,), jnp.int32),
            pltpu.VMEM((_TPW, _K), jnp.float32),
            pltpu.VMEM((_K, _DV), jnp.float32),
            pltpu.VMEM((_K, _DV), jnp.float32),
            pltpu.VMEM((8, _DV), jnp.float32),
            pltpu.SemaphoreType.DMA,
            pltpu.SemaphoreType.DMA,
        ],
    )
    return fn(w, idx_flat, values)


def kernel(x, keys1, keys2, values):
    b, s, d = x.shape
    xf = x.reshape(b * s, d)
    w, vidx = _tc_topk(xf, keys1, keys2)
    y = _sc_gather(w, vidx.reshape(-1), values)
    return y.reshape(b, s, values.shape[1])

# --- scband reference (transcript-rebuilt; emitter-appended) ---
"""Pipeline reference for scband-product-key-memory-49598282334705 (READ-ONLY COPY).

The authoritative reference and input builder live on the scoring server;
editing this copy changes nothing except your own understanding.
"""

import jax, jax.numpy as jnp
import numpy as np

N_KEYS = 65536
N_KEYS_SMALL = 256  # sqrt(65536)
D_IN = 1024
D_OUT = 1024
TOPK = 16
BATCH = 2
SEQ = 2048


def setup_inputs(seed: int = 0) -> dict:
    key = jax.random.key(seed)
    k1, k2, k3, k4 = jax.random.split(key, 4)
    x = jax.random.normal(k1, (BATCH, SEQ, D_IN), dtype=jnp.float32)
    keys1 = jax.random.normal(k2, (N_KEYS_SMALL, D_IN // 2), dtype=jnp.float32) * 0.01
    keys2 = jax.random.normal(k3, (N_KEYS_SMALL, D_IN // 2), dtype=jnp.float32) * 0.01
    values = jax.random.normal(k4, (N_KEYS, D_OUT), dtype=jnp.float32) * 0.01
    return {"x": x, "keys1": keys1, "keys2": keys2, "values": values}


def reference(x, keys1, keys2, values):
    D = x.shape[-1]
    shapes = x.shape[:-1]
    x1 = x[..., : D // 2]
    x2 = x[..., D // 2 :]
    # sub-key scores
    scores1_full = jnp.einsum('...d,bd->...b', x1, keys1)
    scores2_full = jnp.einsum('...d,bd->...b', x2, keys2)
    scores1, indices1 = jax.lax.top_k(scores1_full, TOPK)
    scores2, indices2 = jax.lax.top_k(scores2_full, TOPK)
    # cartesian product of candidate keys
    indices12 = indices1[..., :, None] * keys1.shape[0] + indices2[..., None, :]
    scores12 = scores1[..., :, None] * scores2[..., None, :]
    scores12 = scores12.reshape(shapes + (TOPK * TOPK,))
    indices12 = indices12.reshape(shapes + (TOPK * TOPK,))
    scores, indices = jax.lax.top_k(scores12, TOPK)
    # gather the flat value indices corresponding to the selected candidates
    value_indices = jnp.take_along_axis(indices12, indices, axis=-1)
    w = jax.nn.softmax(scores, axis=-1)
    gathered = jnp.take(values, value_indices, axis=0)
    y = jnp.einsum('...b,...bm->...m', w, gathered)
    return y

if __name__ == "__main__":
    import jax
    _d = setup_inputs()
    print(jax.jit(kernel)(*tuple(_d.values())))

</pallas_src>

<mosaic_0001>
#map = affine_map<(d0, d1) -> (0, 0)>
#map1 = affine_map<(d0, d1) -> (0)>
module attributes {stable_mosaic.version = 14 : i64} {
  func.func @_sc_body(%arg0: i32, %arg1: i32, %arg2: memref<4096x16xf32, #tpu.memory_space<hbm>>, %arg3: memref<65536xi32, #tpu.memory_space<hbm>>, %arg4: memref<65536x1024xf32, #tpu.memory_space<hbm>>, %arg5: memref<4096x1024xf32, #tpu.memory_space<hbm>>, %arg6: memref<2048xi32, #tpu.memory_space<vmem>>, %arg7: memref<128x16xf32, #tpu.memory_space<vmem>>, %arg8: memref<16x1024xf32, #tpu.memory_space<vmem>>, %arg9: memref<16x1024xf32, #tpu.memory_space<vmem>>, %arg10: memref<8x1024xf32, #tpu.memory_space<vmem>>, %arg11: memref<!tpu.dma_semaphore, #tpu.memory_space<semaphore_mem>>, %arg12: memref<!tpu.dma_semaphore, #tpu.memory_space<semaphore_mem>>) attributes {dimension_semantics = [#tpu.dimension_semantics<core_parallel>, #tpu.dimension_semantics<subcore_parallel>], iteration_bounds = array<i64: 2, 16>, scalar_prefetch = 0 : i64, scratch_operands = 7 : i64, tpu.core_type = #tpu.core_type<sc_vector_subcore>, window_params = [{transform_indices = #map}, {transform_indices = #map1}, {transform_indices = #map}, {transform_indices = #map}]} {
    %mul3A = arith.constant 2 : i32
    %mul3A_0 = arith.muli %arg1, %mul3A : i32
    %add3A = arith.addi %mul3A_0, %arg0 : i32
    %mul3A_1 = arith.constant 128 : i32
    %mul3A_2 = arith.muli %add3A, %mul3A_1 : i32
    %mul3A_3 = arith.constant 16 : i32
    %mul3A_4 = arith.muli %mul3A_2, %mul3A_3 : i32
    "tpu.region"() ({
      %run_scoped3A = tpu.sem_alloc : memref<!tpu.dma_semaphore, #tpu.memory_space<semaphore_mem>>
      %dma_start3A_15 = tpu.memref_slice %arg3[%mul3A_4] : memref<65536xi32, #tpu.memory_space<hbm>> -> memref<2048xi32, #tpu.memory_space<hbm>>
      %dma_start3A_16 = tpu.memref_slice %arg3[%mul3A_4] : memref<65536xi32, #tpu.memory_space<hbm>> -> memref<2048xi32, #tpu.memory_space<hbm>>
      tpu.enqueue_dma source(%dma_start3A_16 : memref<2048xi32, #tpu.memory_space<hbm>>) target(%arg6 : memref<2048xi32, #tpu.memory_space<vmem>>) target_semaphore(%run_scoped3A : memref<!tpu.dma_semaphore, #tpu.memory_space<semaphore_mem>>)
      %dma_wait3A = tpu.memref_slice %arg3[%mul3A_4] : memref<65536xi32, #tpu.memory_space<hbm>> -> memref<2048xi32, #tpu.memory_space<hbm>>
      %dma_wait3A_17 = tpu.memref_slice %arg3[%mul3A_4] : memref<65536xi32, #tpu.memory_space<hbm>> -> memref<2048xi32, #tpu.memory_space<hbm>>
      tpu.wait_dma2 semaphore(%run_scoped3A : memref<!tpu.dma_semaphore, #tpu.memory_space<semaphore_mem>>) src(%dma_wait3A_17 : memref<2048xi32, #tpu.memory_space<hbm>>) dst(%arg6 : memref<2048xi32, #tpu.memory_space<vmem>>)
      tpu.yield
    }) : () -> ()
    "tpu.region"() ({
      %run_scoped3A = tpu.sem_alloc : memref<!tpu.dma_semaphore, #tpu.memory_space<semaphore_mem>>
      %dma_start3A_15 = arith.constant 0 : i32
      %dma_start3A_16 = tpu.memref_slice %arg2[%mul3A_2, %dma_start3A_15] : memref<4096x16xf32, #tpu.memory_space<hbm>> -> memref<128x16xf32, #tpu.memory_space<hbm>>
      %dma_start3A_17 = arith.constant 0 : i32
      %dma_start3A_18 = tpu.memref_slice %arg2[%mul3A_2, %dma_start3A_17] : memref<4096x16xf32, #tpu.memory_space<hbm>> -> memref<128x16xf32, #tpu.memory_space<hbm>>
      tpu.enqueue_dma source(%dma_start3A_18 : memref<128x16xf32, #tpu.memory_space<hbm>>) target(%arg7 : memref<128x16xf32, #tpu.memory_space<vmem>>) target_semaphore(%run_scoped3A : memref<!tpu.dma_semaphore, #tpu.memory_space<semaphore_mem>>)
      %dma_wait3A = arith.constant 0 : i32
      %dma_wait3A_19 = tpu.memref_slice %arg2[%mul3A_2, %dma_wait3A] : memref<4096x16xf32, #tpu.memory_space<hbm>> -> memref<128x16xf32, #tpu.memory_space<hbm>>
      %dma_wait3A_20 = arith.constant 0 : i32
      %dma_wait3A_21 = tpu.memref_slice %arg2[%mul3A_2, %dma_wait3A_20] : memref<4096x16xf32, #tpu.memory_space<hbm>> -> memref<128x16xf32, #tpu.memory_space<hbm>>
      tpu.wait_dma2 semaphore(%run_scoped3A : memref<!tpu.dma_semaphore, #tpu.memory_space<semaphore_mem>>) src(%dma_wait3A_21 : memref<128x16xf32, #tpu.memory_space<hbm>>) dst(%arg7 : memref<128x16xf32, #tpu.memory_space<vmem>>)
      tpu.yield
    }) : () -> ()
    %get3A = arith.constant 0 : index
    %get3A_5 = tpu.vector_load %arg6[%get3A] {strides = array<i32>} : memref<2048xi32, #tpu.memory_space<vmem>>, vector<16xi32>,
    %get3A_6 = vector.shape_cast %get3A_5 : vector<16xi32> to vector<16xi32>
    %dma_start3A = arith.constant 0 : i32
    %dma_start3A_7 = arith.constant 0 : i32
    %dma_start3A_8 = tpu.memref_slice %arg4[%dma_start3A, %dma_start3A_7] : memref<65536x1024xf32, #tpu.memory_space<hbm>> -> memref<65536x1024xf32, #tpu.memory_space<hbm>>
    tpu.enqueue_indirect_dma source(%dma_start3A_8 : memref<65536x1024xf32, #tpu.memory_space<hbm>>) target(%arg8 : memref<16x1024xf32, #tpu.memory_space<vmem>>) offsets(%get3A_6 : vector<16xi32>) semaphore(%arg11 : memref<!tpu.dma_semaphore, #tpu.memory_space<semaphore_mem>>)
    %scan3A = arith.constant 0 : i32
    %scan3A_9 = arith.constant 0 : i32
    %scan3A_10 = arith.constant 64 : i32
    %scan3A_11 = arith.addi %scan3A_9, %scan3A_10 : i32
    %scan3A_12 = arith.constant 1 : i32
    %scan3A_13 = scf.for %scan3A_15 = %scan3A_9 to %scan3A_11 step %scan3A_12 iter_args(%scan3A_16 = %scan3A) -> (i32)  : i32 {
      %mul3A_17 = arith.constant 2 : i32
      %mul3A_18 = arith.muli %mul3A_17, %scan3A_15 : i32
      %add3A_19 = arith.constant 1 : i32
      %add3A_20 = arith.addi %mul3A_18, %add3A_19 : i32
      %mul3A_21 = arith.constant 16 : i32
      %mul3A_22 = arith.muli %add3A_20, %mul3A_21 : i32
      %get3A_23 = arith.index_cast %mul3A_22 : i32 to index
      %get3A_24 = tpu.vector_load %arg6[%get3A_23] {strides = array<i32>} : memref<2048xi32, #tpu.memory_space<vmem>>, vector<16xi32>,
      %get3A_25 = vector.shape_cast %get3A_24 : vector<16xi32> to vector<16xi32>
      %dma_start3A_26 = arith.constant 0 : i32
      %dma_start3A_27 = arith.constant 0 : i32
      %dma_start3A_28 = tpu.memref_slice %arg4[%dma_start3A_26, %dma_start3A_27] : memref<65536x1024xf32, #tpu.memory_space<hbm>> -> memref<65536x1024xf32, #tpu.memory_space<hbm>>
      tpu.enqueue_indirect_dma source(%dma_start3A_28 : memref<65536x1024xf32, #tpu.memory_space<hbm>>) target(%arg9 : memref<16x1024xf32, #tpu.memory_space<vmem>>) offsets(%get3A_25 : vector<16xi32>) semaphore(%arg12 : memref<!tpu.dma_semaphore, #tpu.memory_space<semaphore_mem>>)
      %get3A_29 = arith.constant 0 : index
      %get3A_30 = tpu.vector_load %arg6[%get3A_29] {strides = array<i32>} : memref<2048xi32, #tpu.memory_space<vmem>>, vector<16xi32>,
      %get3A_31 = vector.shape_cast %get3A_30 : vector<16xi32> to vector<16xi32>
      %dma_wait3A = arith.constant 0 : i32
      %dma_wait3A_32 = arith.constant 0 : i32
      %dma_wait3A_33 = tpu.memref_slice %arg4[%dma_wait3A, %dma_wait3A_32] : memref<65536x1024xf32, #tpu.memory_space<hbm>> -> memref<65536x1024xf32, #tpu.memory_space<hbm>>
      tpu.wait_indirect_dma semaphore(%arg11 : memref<!tpu.dma_semaphore, #tpu.memory_space<semaphore_mem>>) src(%dma_wait3A_33 : memref<65536x1024xf32, #tpu.memory_space<hbm>>) dst(%arg8 : memref<16x1024xf32, #tpu.memory_space<vmem>>)
      %get3A_34 = arith.index_cast %mul3A_18 : i32 to index
      %get3A_35 = arith.constant 0 : index
      %get3A_36 = tpu.vector_load %arg7[%get3A_34, %get3A_35] {strides = array<i32>} : memref<128x16xf32, #tpu.memory_space<vmem>>, vector<1x16xf32>,
      %get3A_37 = vector.shape_cast %get3A_36 : vector<1x16xf32> to vector<16xf32>
      %slice3A = vector.extract_strided_slice %get3A_37 {offsets = [0], sizes = [1], strides = [1]} : vector<16xf32> to vector<1xf32>
      %squeeze3A = vector.extract %slice3A[0] : f32 from vector<1xf32>
      %slice3A_38 = vector.extract_strided_slice %get3A_37 {offsets = [1], sizes = [1], strides = [1]} : vector<16xf32> to vector<1xf32>
      %squeeze3A_39 = vector.extract %slice3A_38[0] : f32 from vector<1xf32>
      %slice3A_40 = vector.extract_strided_slice %get3A_37 {offsets = [2], sizes = [1], strides = [1]} : vector<16xf32> to vector<1xf32>
      %squeeze3A_41 = vector.extract %slice3A_40[0] : f32 from vector<1xf32>
      %slice3A_42 = vector.extract_strided_slice %get3A_37 {offsets = [3], sizes = [1], strides = [1]} : vector<16xf32> to vector<1xf32>
      %squeeze3A_43 = vector.extract %slice3A_42[0] : f32 from vector<1xf32>
      %slice3A_44 = vector.extract_strided_slice %get3A_37 {offsets = [4], sizes = [1], strides = [1]} : vector<16xf32> to vector<1xf32>
      %squeeze3A_45 = vector.extract %slice3A_44[0] : f32 from vector<1xf32>
      %slice3A_46 = vector.extract_strided_slice %get3A_37 {offsets = [5], sizes = [1], strides = [1]} : vector<16xf32> to vector<1xf32>
      %squeeze3A_47 = vector.extract %slice3A_46[0] : f32 from vector<1xf32>
      %slice3A_48 = vector.extract_strided_slice %get3A_37 {offsets = [6], sizes = [1], strides = [1]} : vector<16xf32> to vector<1xf32>
      %squeeze3A_49 = vector.extract %slice3A_48[0] : f32 from vector<1xf32>
      %slice3A_50 = vector.extract_strided_slice %get3A_37 {offsets = [7], sizes = [1], strides = [1]} : vector<16xf32> to vector<1xf32>
      %squeeze3A_51 = vector.extract %slice3A_50[0] : f32 from vector<1xf32>
      %slice3A_52 = vector.extract_strided_slice %get3A_37 {offsets = [8], sizes = [1], strides = [1]} : vector<16xf32> to vector<1xf32>
      %squeeze3A_53 = vector.extract %slice3A_52[0] : f32 from vector<1xf32>
      %slice3A_54 = vector.extract_strided_slice %get3A_37 {offsets = [9], sizes = [1], strides = [1]} : vector<16xf32> to vector<1xf32>
      %squeeze3A_55 = vector.extract %slice3A_54[0] : f32 from vector<1xf32>
      %slice3A_56 = vector.extract_strided_slice %get3A_37 {offsets = [10], sizes = [1], strides = [1]} : vector<16xf32> to vector<1xf32>
      %squeeze3A_57 = vector.extract %slice3A_56[0] : f32 from vector<1xf32>
      %slice3A_58 = vector.extract_strided_slice %get3A_37 {offsets = [11], sizes = [1], strides = [1]} : vector<16xf32> to vector<1xf32>
      %squeeze3A_59 = vector.extract %slice3A_58[0] : f32 from vector<1xf32>
      %slice3A_60 = vector.extract_strided_slice %get3A_37 {offsets = [12], sizes = [1], strides = [1]} : vector<16xf32> to vector<1xf32>
      %squeeze3A_61 = vector.extract %slice3A_60[0] : f32 from vector<1xf32>
      %slice3A_62 = vector.extract_strided_slice %get3A_37 {offsets = [13], sizes = [1], strides = [1]} : vector<16xf32> to vector<1xf32>
      %squeeze3A_63 = vector.extract %slice3A_62[0] : f32 from vector<1xf32>
      %slice3A_64 = vector.extract_strided_slice %get3A_37 {offsets = [14], sizes = [1], strides = [1]} : vector<16xf32> to vector<1xf32>
      %squeeze3A_65 = vector.extract %slice3A_64[0] : f32 from vector<1xf32>
      %slice3A_66 = vector.extract_strided_slice %get3A_37 {offsets = [15], sizes = [1], strides = [1]} : vector<16xf32> to vector<1xf32>
      %squeeze3A_67 = vector.extract %slice3A_66[0] : f32 from vector<1xf32>
      %rem3A = arith.constant 8 : i32
      %rem3A_68 = arith.remsi %mul3A_18, %rem3A : i32
      %scan3A_69 = arith.constant 0 : i32
      %scan3A_70 = arith.constant 0 : i32
      %scan3A_71 = arith.constant 64 : i32
      %scan3A_72 = arith.addi %scan3A_70, %scan3A_71 : i32
      %scan3A_73 = arith.constant 1 : i32
      %scan3A_74 = scf.for %scan3A_136 = %scan3A_70 to %scan3A_72 step %scan3A_73 iter_args(%scan3A_137 = %scan3A_69) -> (i32)  : i32 {
        %mul3A_138 = arith.constant 16 : i32
        %mul3A_139 = arith.muli %scan3A_136, %mul3A_138 : i32
        %get3A_140 = arith.constant 0 : i32
        %get3A_141 = arith.index_cast %get3A_140 : i32 to index
        %get3A_142 = arith.index_cast %mul3A_139 : i32 to index
        %get3A_143 = tpu.vector_load %arg8[%get3A_141, %get3A_142] {strides = array<i32>} : memref<16x1024xf32, #tpu.memory_space<vmem>>, vector<1x16xf32>,
        %get3A_144 = vector.shape_cast %get3A_143 : vector<1x16xf32> to vector<16xf32>
        %mul3A_145 = vector.broadcast %squeeze3A : f32 to vector<16xf32>
        %mul3A_146 = arith.mulf %mul3A_145, %get3A_144 : vector<16xf32>
        %get3A_147 = arith.constant 1 : i32
        %get3A_148 = arith.index_cast %get3A_147 : i32 to index
        %get3A_149 = arith.index_cast %mul3A_139 : i32 to index
        %get3A_150 = tpu.vector_load %arg8[%get3A_148, %get3A_149] {strides = array<i32>} : memref<16x1024xf32, #tpu.memory_space<vmem>>, vector<1x16xf32>,
        %get3A_151 = vector.shape_cast %get3A_150 : vector<1x16xf32> to vector<16xf32>
        %mul3A_152 = vector.broadcast %squeeze3A_39 : f32 to vector<16xf32>
        %mul3A_153 = arith.mulf %mul3A_152, %get3A_151 : vector<16xf32>
        %get3A_154 = arith.constant 2 : i32
        %get3A_155 = arith.index_cast %get3A_154 : i32 to index
        %get3A_156 = arith.index_cast %mul3A_139 : i32 to index
        %get3A_157 = tpu.vector_load %arg8[%get3A_155, %get3A_156] {strides = array<i32>} : memref<16x1024xf32, #tpu.memory_space<vmem>>, vector<1x16xf32>,
        %get3A_158 = vector.shape_cast %get3A_157 : vector<1x16xf32> to vector<16xf32>
        %mul3A_159 = vector.broadcast %squeeze3A_41 : f32 to vector<16xf32>
        %mul3A_160 = arith.mulf %mul3A_159, %get3A_158 : vector<16xf32>
        %get3A_161 = arith.constant 3 : i32
        %get3A_162 = arith.index_cast %get3A_161 : i32 to index
        %get3A_163 = arith.index_cast %mul3A_139 : i32 to index
        %get3A_164 = tpu.vector_load %arg8[%get3A_162, %get3A_163] {strides = array<i32>} : memref<16x1024xf32, #tpu.memory_space<vmem>>, vector<1x16xf32>,
        %get3A_165 = vector.shape_cast %get3A_164 : vector<1x16xf32> to vector<16xf32>
        %mul3A_166 = vector.broadcast %squeeze3A_43 : f32 to vector<16xf32>
        %mul3A_167 = arith.mulf %mul3A_166, %get3A_165 : vector<16xf32>
        %get3A_168 = arith.constant 4 : i32
        %get3A_169 = arith.index_cast %get3A_168 : i32 to index
        %get3A_170 = arith.index_cast %mul3A_139 : i32 to index
        %get3A_171 = tpu.vector_load %arg8[%get3A_169, %get3A_170] {strides = array<i32>} : memref<16x1024xf32, #tpu.memory_space<vmem>>, vector<1x16xf32>,
        %get3A_172 = vector.shape_cast %get3A_171 : vector<1x16xf32> to vector<16xf32>
        %mul3A_173 = vector.broadcast %squeeze3A_45 : f32 to vector<16xf32>
        %mul3A_174 = arith.mulf %mul3A_173, %get3A_172 : vector<16xf32>
        %get3A_175 = arith.constant 5 : i32
        %get3A_176 = arith.index_cast %get3A_175 : i32 to index
        %get3A_177 = arith.index_cast %mul3A_139 : i32 to index
        %get3A_178 = tpu.vector_load %arg8[%get3A_176, %get3A_177] {strides = array<i32>} : memref<16x1024xf32, #tpu.memory_space<vmem>>, vector<1x16xf32>,
        %get3A_179 = vector.shape_cast %get3A_178 : vector<1x16xf32> to vector<16xf32>
        %mul3A_180 = vector.broadcast %squeeze3A_47 : f32 to vector<16xf32>
        %mul3A_181 = arith.mulf %mul3A_180, %get3A_179 : vector<16xf32>
        %get3A_182 = arith.constant 6 : i32
        %get3A_183 = arith.index_cast %get3A_182 : i32 to index
        %get3A_184 = arith.index_cast %mul3A_139 : i32 to index
        %get3A_185 = tpu.vector_load %arg8[%get3A_183, %get3A_184] {strides = array<i32>} : memref<16x1024xf32, #tpu.memory_space<vmem>>, vector<1x16xf32>,
        %get3A_186 = vector.shape_cast %get3A_185 : vector<1x16xf32> to vector<16xf32>
        %mul3A_187 = vector.broadcast %squeeze3A_49 : f32 to vector<16xf32>
        %mul3A_188 = arith.mulf %mul3A_187, %get3A_186 : vector<16xf32>
        %get3A_189 = arith.constant 7 : i32
        %get3A_190 = arith.index_cast %get3A_189 : i32 to index
        %get3A_191 = arith.index_cast %mul3A_139 : i32 to index
        %get3A_192 = tpu.vector_load %arg8[%get3A_190, %get3A_191] {strides = array<i32>} : memref<16x1024xf32, #tpu.memory_space<vmem>>, vector<1x16xf32>,
        %get3A_193 = vector.shape_cast %get3A_192 : vector<1x16xf32> to vector<16xf32>
        %mul3A_194 = vector.broadcast %squeeze3A_51 : f32 to vector<16xf32>
        %mul3A_195 = arith.mulf %mul3A_194, %get3A_193 : vector<16xf32>
        %get3A_196 = arith.constant 8 : i32
        %get3A_197 = arith.index_cast %get3A_196 : i32 to index
        %get3A_198 = arith.index_cast %mul3A_139 : i32 to index
        %get3A_199 = tpu.vector_load %arg8[%get3A_197, %get3A_198] {strides = array<i32>} : memref<16x1024xf32, #tpu.memory_space<vmem>>, vector<1x16xf32>,
        %get3A_200 = vector.shape_cast %get3A_199 : vector<1x16xf32> to vector<16xf32>
        %mul3A_201 = vector.broadcast %squeeze3A_53 : f32 to vector<16xf32>
        %mul3A_202 = arith.mulf %mul3A_201, %get3A_200 : vector<16xf32>
        %get3A_203 = arith.constant 9 : i32
        %get3A_204 = arith.index_cast %get3A_203 : i32 to index
        %get3A_205 = arith.index_cast %mul3A_139 : i32 to index
        %get3A_206 = tpu.vector_load %arg8[%get3A_204, %get3A_205] {strides = array<i32>} : memref<16x1024xf32, #tpu.memory_space<vmem>>, vector<1x16xf32>,
        %get3A_207 = vector.shape_cast %get3A_206 : vector<1x16xf32> to vector<16xf32>
        %mul3A_208 = vector.broadcast %squeeze3A_55 : f32 to vector<16xf32>
        %mul3A_209 = arith.mulf %mul3A_208, %get3A_207 : vector<16xf32>
        %get3A_210 = arith.constant 10 : i32
        %get3A_211 = arith.index_cast %get3A_210 : i32 to index
        %get3A_212 = arith.index_cast %mul3A_139 : i32 to index
        %get3A_213 = tpu.vector_load %arg8[%get3A_211, %get3A_212] {strides = array<i32>} : memref<16x1024xf32, #tpu.memory_space<vmem>>, vector<1x16xf32>,
        %get3A_214 = vector.shape_cast %get3A_213 : vector<1x16xf32> to vector<16xf32>
        %mul3A_215 = vector.broadcast %squeeze3A_57 : f32 to vector<16xf32>
        %mul3A_216 = arith.mulf %mul3A_215, %get3A_214 : vector<16xf32>
        %get3A_217 = arith.constant 11 : i32
        %get3A_218 = arith.index_cast %get3A_217 : i32 to index
        %get3A_219 = arith.index_cast %mul3A_139 : i32 to index
        %get3A_220 = tpu.vector_load %arg8[%get3A_218, %get3A_219] {strides = array<i32>} : memref<16x1024xf32, #tpu.memory_space<vmem>>, vector<1x16xf32>,
        %get3A_221 = vector.shape_cast %get3A_220 : vector<1x16xf32> to vector<16xf32>
        %mul3A_222 = vector.broadcast %squeeze3A_59 : f32 to vector<16xf32>
        %mul3A_223 = arith.mulf %mul3A_222, %get3A_221 : vector<16xf32>
        %get3A_224 = arith.constant 12 : i32
        %get3A_225 = arith.index_cast %get3A_224 : i32 to index
        %get3A_226 = arith.index_cast %mul3A_139 : i32 to index
        %get3A_227 = tpu.vector_load %arg8[%get3A_225, %get3A_226] {strides = array<i32>} : memref<16x1024xf32, #tpu.memory_space<vmem>>, vector<1x16xf32>,
        %get3A_228 = vector.shape_cast %get3A_227 : vector<1x16xf32> to vector<16xf32>
        %mul3A_229 = vector.broadcast %squeeze3A_61 : f32 to vector<16xf32>
        %mul3A_230 = arith.mulf %mul3A_229, %get3A_228 : vector<16xf32>
        %get3A_231 = arith.constant 13 : i32
        %get3A_232 = arith.index_cast %get3A_231 : i32 to index
        %get3A_233 = arith.index_cast %mul3A_139 : i32 to index
        %get3A_234 = tpu.vector_load %arg8[%get3A_232, %get3A_233] {strides = array<i32>} : memref<16x1024xf32, #tpu.memory_space<vmem>>, vector<1x16xf32>,
        %get3A_235 = vector.shape_cast %get3A_234 : vector<1x16xf32> to vector<16xf32>
        %mul3A_236 = vector.broadcast %squeeze3A_63 : f32 to vector<16xf32>
        %mul3A_237 = arith.mulf %mul3A_236, %get3A_235 : vector<16xf32>
        %get3A_238 = arith.constant 14 : i32
        %get3A_239 = arith.index_cast %get3A_238 : i32 to index
        %get3A_240 = arith.index_cast %mul3A_139 : i32 to index
        %get3A_241 = tpu.vector_load %arg8[%get3A_239, %get3A_240] {strides = array<i32>} : memref<16x1024xf32, #tpu.memory_space<vmem>>, vector<1x16xf32>,
        %get3A_242 = vector.shape_cast %get3A_241 : vector<1x16xf32> to vector<16xf32>
        %mul3A_243 = vector.broadcast %squeeze3A_65 : f32 to vector<16xf32>
        %mul3A_244 = arith.mulf %mul3A_243, %get3A_242 : vector<16xf32>
        %get3A_245 = arith.constant 15 : i32
        %get3A_246 = arith.index_cast %get3A_245 : i32 to index
        %get3A_247 = arith.index_cast %mul3A_139 : i32 to index
        %get3A_248 = tpu.vector_load %arg8[%get3A_246, %get3A_247] {strides = array<i32>} : memref<16x1024xf32, #tpu.memory_space<vmem>>, vector<1x16xf32>,
        %get3A_249 = vector.shape_cast %get3A_248 : vector<1x16xf32> to vector<16xf32>
        %mul3A_250 = vector.broadcast %squeeze3A_67 : f32 to vector<16xf32>
        %mul3A_251 = arith.mulf %mul3A_250, %get3A_249 : vector<16xf32>
        %add3A_252 = arith.addf %mul3A_146, %mul3A_153 : vector<16xf32>
        %add3A_253 = arith.addf %mul3A_160, %mul3A_167 : vector<16xf32>
        %add3A_254 = arith.addf %mul3A_174, %mul3A_181 : vector<16xf32>
        %add3A_255 = arith.addf %mul3A_188, %mul3A_195 : vector<16xf32>
        %add3A_256 = arith.addf %mul3A_202, %mul3A_209 : vector<16xf32>
        %add3A_257 = arith.addf %mul3A_216, %mul3A_223 : vector<16xf32>
        %add3A_258 = arith.addf %mul3A_230, %mul3A_237 : vector<16xf32>
        %add3A_259 = arith.addf %mul3A_244, %mul3A_251 : vector<16xf32>
        %add3A_260 = arith.addf %add3A_252, %add3A_253 : vector<16xf32>
        %add3A_261 = arith.addf %add3A_254, %add3A_255 : vector<16xf32>
        %add3A_262 = arith.addf %add3A_256, %add3A_257 : vector<16xf32>
        %add3A_263 = arith.addf %add3A_258, %add3A_259 : vector<16xf32>
        %add3A_264 = arith.addf %add3A_260, %add3A_261 : vector<16xf32>
        %add3A_265 = arith.addf %add3A_262, %add3A_263 : vector<16xf32>
        %add3A_266 = arith.addf %add3A_264, %add3A_265 : vector<16xf32>
        %swap3A = arith.index_cast %rem3A_68 : i32 to index
        %swap3A_267 = arith.index_cast %mul3A_139 : i32 to index
        %swap3A_268 = tpu.vector_load %arg10[%swap3A, %swap3A_267] {strides = array<i32>} : memref<8x1024xf32, #tpu.memory_space<vmem>>, vector<1x16xf32>,
        %swap3A_269 = vector.shape_cast %swap3A_268 : vector<1x16xf32> to vector<16xf32>
        %swap3A_270 = vector.shape_cast %add3A_266 : vector<16xf32> to vector<1x16xf32>
        tpu.vector_store %arg10[%swap3A, %swap3A_267], %swap3A_270 {strides = array<i32>} : memref<8x1024xf32, #tpu.memory_space<vmem>>, vector<1x16xf32>,
        %scan3A_271 = arith.constant 0 : i32
        scf.yield %scan3A_271 : i32
      }
      %scan3A_75 = arith.constant 64 : i32
      %lt3A = arith.constant 63 : i32
      %lt3A_76 = arith.cmpi slt, %scan3A_15, %lt3A : i32
      %convert_element_type3A = arith.extui %lt3A_76 : i1 to i32
      %cond3A = arith.constant 0 : i32
      %cond3A_77 = arith.cmpi ne, %convert_element_type3A, %cond3A : i32
      scf.if %cond3A_77 {
        %add3A_136 = arith.constant 2 : i32
        %add3A_137 = arith.addi %mul3A_18, %add3A_136 : i32
        %mul3A_138 = arith.constant 16 : i32
        %mul3A_139 = arith.muli %add3A_137, %mul3A_138 : i32
        %get3A_140 = arith.index_cast %mul3A_139 : i32 to index
        %get3A_141 = tpu.vector_load %arg6[%get3A_140] {strides = array<i32>} : memref<2048xi32, #tpu.memory_space<vmem>>, vector<16xi32>,
        %get3A_142 = vector.shape_cast %get3A_141 : vector<16xi32> to vector<16xi32>
        %dma_start3A_143 = arith.constant 0 : i32
        %dma_start3A_144 = arith.constant 0 : i32
        %dma_start3A_145 = tpu.memref_slice %arg4[%dma_start3A_143, %dma_start3A_144] : memref<65536x1024xf32, #tpu.memory_space<hbm>> -> memref<65536x1024xf32, #tpu.memory_space<hbm>>
        tpu.enqueue_indirect_dma source(%dma_start3A_145 : memref<65536x1024xf32, #tpu.memory_space<hbm>>) target(%arg8 : memref<16x1024xf32, #tpu.memory_space<vmem>>) offsets(%get3A_142 : vector<16xi32>) semaphore(%arg11 : memref<!tpu.dma_semaphore, #tpu.memory_space<semaphore_mem>>)
      } else {
      }
      %get3A_78 = arith.constant 0 : index
      %get3A_79 = tpu.vector_load %arg6[%get3A_78] {strides = array<i32>} : memref<2048xi32, #tpu.memory_space<vmem>>, vector<16xi32>,
      %get3A_80 = vector.shape_cast %get3A_79 : vector<16xi32> to vector<16xi32>
      %dma_wait3A_81 = arith.constant 0 : i32
      %dma_wait3A_82 = arith.constant 0 : i32
      %dma_wait3A_83 = tpu.memref_slice %arg4[%dma_wait3A_81, %dma_wait3A_82] : memref<65536x1024xf32, #tpu.memory_space<hbm>> -> memref<65536x1024xf32, #tpu.memory_space<hbm>>
      tpu.wait_indirect_dma semaphore(%arg12 : memref<!tpu.dma_semaphore, #tpu.memory_space<semaphore_mem>>) src(%dma_wait3A_83 : memref<65536x1024xf32, #tpu.memory_space<hbm>>) dst(%arg9 : memref<16x1024xf32, #tpu.memory_space<vmem>>)
      %get3A_84 = arith.index_cast %add3A_20 : i32 to index
      %get3A_85 = arith.constant 0 : index
      %get3A_86 = tpu.vector_load %arg7[%get3A_84, %get3A_85] {strides = array<i32>} : memref<128x16xf32, #tpu.memory_space<vmem>>, vector<1x16xf32>,
      %get3A_87 = vector.shape_cast %get3A_86 : vector<1x16xf32> to vector<16xf32>
      %slice3A_88 = vector.extract_strided_slice %get3A_87 {offsets = [0], sizes = [1], strides = [1]} : vector<16xf32> to vector<1xf32>
      %squeeze3A_89 = vector.extract %slice3A_88[0] : f32 from vector<1xf32>
      %slice3A_90 = vector.extract_strided_slice %get3A_87 {offsets = [1], sizes = [1], strides = [1]} : vector<16xf32> to vector<1xf32>
      %squeeze3A_91 = vector.extract %slice3A_90[0] : f32 from vector<1xf32>
      %slice3A_92 = vector.extract_strided_slice %get3A_87 {offsets = [2], sizes = [1], strides = [1]} : vector<16xf32> to vector<1xf32>
      %squeeze3A_93 = vector.extract %slice3A_92[0] : f32 from vector<1xf32>
      %slice3A_94 = vector.extract_strided_slice %get3A_87 {offsets = [3], sizes = [1], strides = [1]} : vector<16xf32> to vector<1xf32>
      %squeeze3A_95 = vector.extract %slice3A_94[0] : f32 from vector<1xf32>
      %slice3A_96 = vector.extract_strided_slice %get3A_87 {offsets = [4], sizes = [1], strides = [1]} : vector<16xf32> to vector<1xf32>
      %squeeze3A_97 = vector.extract %slice3A_96[0] : f32 from vector<1xf32>
      %slice3A_98 = vector.extract_strided_slice %get3A_87 {offsets = [5], sizes = [1], strides = [1]} : vector<16xf32> to vector<1xf32>
      %squeeze3A_99 = vector.extract %slice3A_98[0] : f32 from vector<1xf32>
      %slice3A_100 = vector.extract_strided_slice %get3A_87 {offsets = [6], sizes = [1], strides = [1]} : vector<16xf32> to vector<1xf32>
      %squeeze3A_101 = vector.extract %slice3A_100[0] : f32 from vector<1xf32>
      %slice3A_102 = vector.extract_strided_slice %get3A_87 {offsets = [7], sizes = [1], strides = [1]} : vector<16xf32> to vector<1xf32>
      %squeeze3A_103 = vector.extract %slice3A_102[0] : f32 from vector<1xf32>
      %slice3A_104 = vector.extract_strided_slice %get3A_87 {offsets = [8], sizes = [1], strides = [1]} : vector<16xf32> to vector<1xf32>
      %squeeze3A_105 = vector.extract %slice3A_104[0] : f32 from vector<1xf32>
      %slice3A_106 = vector.extract_strided_slice %get3A_87 {offsets = [9], sizes = [1], strides = [1]} : vector<16xf32> to vector<1xf32>
      %squeeze3A_107 = vector.extract %slice3A_106[0] : f32 from vector<1xf32>
      %slice3A_108 = vector.extract_strided_slice %get3A_87 {offsets = [10], sizes = [1], strides = [1]} : vector<16xf32> to vector<1xf32>
      %squeeze3A_109 = vector.extract %slice3A_108[0] : f32 from vector<1xf32>
      %slice3A_110 = vector.extract_strided_slice %get3A_87 {offsets = [11], sizes = [1], strides = [1]} : vector<16xf32> to vector<1xf32>
      %squeeze3A_111 = vector.extract %slice3A_110[0] : f32 from vector<1xf32>
      %slice3A_112 = vector.extract_strided_slice %get3A_87 {offsets = [12], sizes = [1], strides = [1]} : vector<16xf32> to vector<1xf32>
      %squeeze3A_113 = vector.extract %slice3A_112[0] : f32 from vector<1xf32>
      %slice3A_114 = vector.extract_strided_slice %get3A_87 {offsets = [13], sizes = [1], strides = [1]} : vector<16xf32> to vector<1xf32>
      %squeeze3A_115 = vector.extract %slice3A_114[0] : f32 from vector<1xf32>
      %slice3A_116 = vector.extract_strided_slice %get3A_87 {offsets = [14], sizes = [1], strides = [1]} : vector<16xf32> to vector<1xf32>
      %squeeze3A_117 = vector.extract %slice3A_116[0] : f32 from vector<1xf32>
      %slice3A_118 = vector.extract_strided_slice %get3A_87 {offsets = [15], sizes = [1], strides = [1]} : vector<16xf32> to vector<1xf32>
      %squeeze3A_119 = vector.extract %slice3A_118[0] : f32 from vector<1xf32>
      %rem3A_120 = arith.constant 8 : i32
      %rem3A_121 = arith.remsi %add3A_20, %rem3A_120 : i32
      %scan3A_122 = arith.constant 0 : i32
      %scan3A_123 = arith.constant 0 : i32
      %scan3A_124 = arith.constant 64 : i32
      %scan3A_125 = arith.addi %scan3A_123, %scan3A_124 : i32
      %scan3A_126 = arith.constant 1 : i32
      %scan3A_127 = scf.for %scan3A_136 = %scan3A_123 to %scan3A_125 step %scan3A_126 iter_args(%scan3A_137 = %scan3A_122) -> (i32)  : i32 {
        %mul3A_138 = arith.constant 16 : i32
        %mul3A_139 = arith.muli %scan3A_136, %mul3A_138 : i32
        %get3A_140 = arith.constant 0 : i32
        %get3A_141 = arith.index_cast %get3A_140 : i32 to index
        %get3A_142 = arith.index_cast %mul3A_139 : i32 to index
        %get3A_143 = tpu.vector_load %arg9[%get3A_141, %get3A_142] {strides = array<i32>} : memref<16x1024xf32, #tpu.memory_space<vmem>>, vector<1x16xf32>,
        %get3A_144 = vector.shape_cast %get3A_143 : vector<1x16xf32> to vector<16xf32>
        %mul3A_145 = vector.broadcast %squeeze3A_89 : f32 to vector<16xf32>
        %mul3A_146 = arith.mulf %mul3A_145, %get3A_144 : vector<16xf32>
        %get3A_147 = arith.constant 1 : i32
        %get3A_148 = arith.index_cast %get3A_147 : i32 to index
        %get3A_149 = arith.index_cast %mul3A_139 : i32 to index
        %get3A_150 = tpu.vector_load %arg9[%get3A_148, %get3A_149] {strides = array<i32>} : memref<16x1024xf32, #tpu.memory_space<vmem>>, vector<1x16xf32>,
        %get3A_151 = vector.shape_cast %get3A_150 : vector<1x16xf32> to vector<16xf32>
        %mul3A_152 = vector.broadcast %squeeze3A_91 : f32 to vector<16xf32>
        %mul3A_153 = arith.mulf %mul3A_152, %get3A_151 : vector<16xf32>
        %get3A_154 = arith.constant 2 : i32
        %get3A_155 = arith.index_cast %get3A_154 : i32 to index
        %get3A_156 = arith.index_cast %mul3A_139 : i32 to index
        %get3A_157 = tpu.vector_load %arg9[%get3A_155, %get3A_156] {strides = array<i32>} : memref<16x1024xf32, #tpu.memory_space<vmem>>, vector<1x16xf32>,
        %get3A_158 = vector.shape_cast %get3A_157 : vector<1x16xf32> to vector<16xf32>
        %mul3A_159 = vector.broadcast %squeeze3A_93 : f32 to vector<16xf32>
        %mul3A_160 = arith.mulf %mul3A_159, %get3A_158 : vector<16xf32>
        %get3A_161 = arith.constant 3 : i32
        %get3A_162 = arith.index_cast %get3A_161 : i32 to index
        %get3A_163 = arith.index_cast %mul3A_139 : i32 to index
        %get3A_164 = tpu.vector_load %arg9[%get3A_162, %get3A_163] {strides = array<i32>} : memref<16x1024xf32, #tpu.memory_space<vmem>>, vector<1x16xf32>,
        %get3A_165 = vector.shape_cast %get3A_164 : vector<1x16xf32> to vector<16xf32>
        %mul3A_166 = vector.broadcast %squeeze3A_95 : f32 to vector<16xf32>
        %mul3A_167 = arith.mulf %mul3A_166, %get3A_165 : vector<16xf32>
        %get3A_168 = arith.constant 4 : i32
        %get3A_169 = arith.index_cast %get3A_168 : i32 to index
        %get3A_170 = arith.index_cast %mul3A_139 : i32 to index
        %get3A_171 = tpu.vector_load %arg9[%get3A_169, %get3A_170] {strides = array<i32>} : memref<16x1024xf32, #tpu.memory_space<vmem>>, vector<1x16xf32>,
        %get3A_172 = vector.shape_cast %get3A_171 : vector<1x16xf32> to vector<16xf32>
        %mul3A_173 = vector.broadcast %squeeze3A_97 : f32 to vector<16xf32>
        %mul3A_174 = arith.mulf %mul3A_173, %get3A_172 : vector<16xf32>
        %get3A_175 = arith.constant 5 : i32
        %get3A_176 = arith.index_cast %get3A_175 : i32 to index
        %get3A_177 = arith.index_cast %mul3A_139 : i32 to index
        %get3A_178 = tpu.vector_load %arg9[%get3A_176, %get3A_177] {strides = array<i32>} : memref<16x1024xf32, #tpu.memory_space<vmem>>, vector<1x16xf32>,
        %get3A_179 = vector.shape_cast %get3A_178 : vector<1x16xf32> to vector<16xf32>
        %mul3A_180 = vector.broadcast %squeeze3A_99 : f32 to vector<16xf32>
        %mul3A_181 = arith.mulf %mul3A_180, %get3A_179 : vector<16xf32>
        %get3A_182 = arith.constant 6 : i32
        %get3A_183 = arith.index_cast %get3A_182 : i32 to index
        %get3A_184 = arith.index_cast %mul3A_139 : i32 to index
        %get3A_185 = tpu.vector_load %arg9[%get3A_183, %get3A_184] {strides = array<i32>} : memref<16x1024xf32, #tpu.memory_space<vmem>>, vector<1x16xf32>,
        %get3A_186 = vector.shape_cast %get3A_185 : vector<1x16xf32> to vector<16xf32>
        %mul3A_187 = vector.broadcast %squeeze3A_101 : f32 to vector<16xf32>
        %mul3A_188 = arith.mulf %mul3A_187, %get3A_186 : vector<16xf32>
        %get3A_189 = arith.constant 7 : i32
        %get3A_190 = arith.index_cast %get3A_189 : i32 to index
        %get3A_191 = arith.index_cast %mul3A_139 : i32 to index
        %get3A_192 = tpu.vector_load %arg9[%get3A_190, %get3A_191] {strides = array<i32>} : memref<16x1024xf32, #tpu.memory_space<vmem>>, vector<1x16xf32>,
        %get3A_193 = vector.shape_cast %get3A_192 : vector<1x16xf32> to vector<16xf32>
        %mul3A_194 = vector.broadcast %squeeze3A_103 : f32 to vector<16xf32>
        %mul3A_195 = arith.mulf %mul3A_194, %get3A_193 : vector<16xf32>
        %get3A_196 = arith.constant 8 : i32
        %get3A_197 = arith.index_cast %get3A_196 : i32 to index
        %get3A_198 = arith.index_cast %mul3A_139 : i32 to index
        %get3A_199 = tpu.vector_load %arg9[%get3A_197, %get3A_198] {strides = array<i32>} : memref<16x1024xf32, #tpu.memory_space<vmem>>, vector<1x16xf32>,
        %get3A_200 = vector.shape_cast %get3A_199 : vector<1x16xf32> to vector<16xf32>
        %mul3A_201 = vector.broadcast %squeeze3A_105 : f32 to vector<16xf32>
        %mul3A_202 = arith.mulf %mul3A_201, %get3A_200 : vector<16xf32>
        %get3A_203 = arith.constant 9 : i32
        %get3A_204 = arith.index_cast %get3A_203 : i32 to index
        %get3A_205 = arith.index_cast %mul3A_139 : i32 to index
        %get3A_206 = tpu.vector_load %arg9[%get3A_204, %get3A_205] {strides = array<i32>} : memref<16x1024xf32, #tpu.memory_space<vmem>>, vector<1x16xf32>,
        %get3A_207 = vector.shape_cast %get3A_206 : vector<1x16xf32> to vector<16xf32>
        %mul3A_208 = vector.broadcast %squeeze3A_107 : f32 to vector<16xf32>
        %mul3A_209 = arith.mulf %mul3A_208, %get3A_207 : vector<16xf32>
        %get3A_210 = arith.constant 10 : i32
        %get3A_211 = arith.index_cast %get3A_210 : i32 to index
        %get3A_212 = arith.index_cast %mul3A_139 : i32 to index
        %get3A_213 = tpu.vector_load %arg9[%get3A_211, %get3A_212] {strides = array<i32>} : memref<16x1024xf32, #tpu.memory_space<vmem>>, vector<1x16xf32>,
        %get3A_214 = vector.shape_cast %get3A_213 : vector<1x16xf32> to vector<16xf32>
        %mul3A_215 = vector.broadcast %squeeze3A_109 : f32 to vector<16xf32>
        %mul3A_216 = arith.mulf %mul3A_215, %get3A_214 : vector<16xf32>
        %get3A_217 = arith.constant 11 : i32
        %get3A_218 = arith.index_cast %get3A_217 : i32 to index
        %get3A_219 = arith.index_cast %mul3A_139 : i32 to index
        %get3A_220 = tpu.vector_load %arg9[%get3A_218, %get3A_219] {strides = array<i32>} : memref<16x1024xf32, #tpu.memory_space<vmem>>, vector<1x16xf32>,
        %get3A_221 = vector.shape_cast %get3A_220 : vector<1x16xf32> to vector<16xf32>
        %mul3A_222 = vector.broadcast %squeeze3A_111 : f32 to vector<16xf32>
        %mul3A_223 = arith.mulf %mul3A_222, %get3A_221 : vector<16xf32>
        %get3A_224 = arith.constant 12 : i32
        %get3A_225 = arith.index_cast %get3A_224 : i32 to index
        %get3A_226 = arith.index_cast %mul3A_139 : i32 to index
        %get3A_227 = tpu.vector_load %arg9[%get3A_225, %get3A_226] {strides = array<i32>} : memref<16x1024xf32, #tpu.memory_space<vmem>>, vector<1x16xf32>,
        %get3A_228 = vector.shape_cast %get3A_227 : vector<1x16xf32> to vector<16xf32>
        %mul3A_229 = vector.broadcast %squeeze3A_113 : f32 to vector<16xf32>
        %mul3A_230 = arith.mulf %mul3A_229, %get3A_228 : vector<16xf32>
        %get3A_231 = arith.constant 13 : i32
        %get3A_232 = arith.index_cast %get3A_231 : i32 to index
        %get3A_233 = arith.index_cast %mul3A_139 : i32 to index
        %get3A_234 = tpu.vector_load %arg9[%get3A_232, %get3A_233] {strides = array<i32>} : memref<16x1024xf32, #tpu.memory_space<vmem>>, vector<1x16xf32>,
        %get3A_235 = vector.shape_cast %get3A_234 : vector<1x16xf32> to vector<16xf32>
        %mul3A_236 = vector.broadcast %squeeze3A_115 : f32 to vector<16xf32>
        %mul3A_237 = arith.mulf %mul3A_236, %get3A_235 : vector<16xf32>
        %get3A_238 = arith.constant 14 : i32
        %get3A_239 = arith.index_cast %get3A_238 : i32 to index
        %get3A_240 = arith.index_cast %mul3A_139 : i32 to index
        %get3A_241 = tpu.vector_load %arg9[%get3A_239, %get3A_240] {strides = array<i32>} : memref<16x1024xf32, #tpu.memory_space<vmem>>, vector<1x16xf32>,
        %get3A_242 = vector.shape_cast %get3A_241 : vector<1x16xf32> to vector<16xf32>
        %mul3A_243 = vector.broadcast %squeeze3A_117 : f32 to vector<16xf32>
        %mul3A_244 = arith.mulf %mul3A_243, %get3A_242 : vector<16xf32>
        %get3A_245 = arith.constant 15 : i32
        %get3A_246 = arith.index_cast %get3A_245 : i32 to index
        %get3A_247 = arith.index_cast %mul3A_139 : i32 to index
        %get3A_248 = tpu.vector_load %arg9[%get3A_246, %get3A_247] {strides = array<i32>} : memref<16x1024xf32, #tpu.memory_space<vmem>>, vector<1x16xf32>,
        %get3A_249 = vector.shape_cast %get3A_248 : vector<1x16xf32> to vector<16xf32>
        %mul3A_250 = vector.broadcast %squeeze3A_119 : f32 to vector<16xf32>
        %mul3A_251 = arith.mulf %mul3A_250, %get3A_249 : vector<16xf32>
        %add3A_252 = arith.addf %mul3A_146, %mul3A_153 : vector<16xf32>
        %add3A_253 = arith.addf %mul3A_160, %mul3A_167 : vector<16xf32>
        %add3A_254 = arith.addf %mul3A_174, %mul3A_181 : vector<16xf32>
        %add3A_255 = arith.addf %mul3A_188, %mul3A_195 : vector<16xf32>
        %add3A_256 = arith.addf %mul3A_202, %mul3A_209 : vector<16xf32>
        %add3A_257 = arith.addf %mul3A_216, %mul3A_223 : vector<16xf32>
        %add3A_258 = arith.addf %mul3A_230, %mul3A_237 : vector<16xf32>
        %add3A_259 = arith.addf %mul3A_244, %mul3A_251 : vector<16xf32>
        %add3A_260 = arith.addf %add3A_252, %add3A_253 : vector<16xf32>
        %add3A_261 = arith.addf %add3A_254, %add3A_255 : vector<16xf32>
        %add3A_262 = arith.addf %add3A_256, %add3A_257 : vector<16xf32>
        %add3A_263 = arith.addf %add3A_258, %add3A_259 : vector<16xf32>
        %add3A_264 = arith.addf %add3A_260, %add3A_261 : vector<16xf32>
        %add3A_265 = arith.addf %add3A_262, %add3A_263 : vector<16xf32>
        %add3A_266 = arith.addf %add3A_264, %add3A_265 : vector<16xf32>
        %swap3A = arith.index_cast %rem3A_121 : i32 to index
        %swap3A_267 = arith.index_cast %mul3A_139 : i32 to index
        %swap3A_268 = tpu.vector_load %arg10[%swap3A, %swap3A_267] {strides = array<i32>} : memref<8x1024xf32, #tpu.memory_space<vmem>>, vector<1x16xf32>,
        %swap3A_269 = vector.shape_cast %swap3A_268 : vector<1x16xf32> to vector<16xf32>
        %swap3A_270 = vector.shape_cast %add3A_266 : vector<16xf32> to vector<1x16xf32>
        tpu.vector_store %arg10[%swap3A, %swap3A_267], %swap3A_270 {strides = array<i32>} : memref<8x1024xf32, #tpu.memory_space<vmem>>, vector<1x16xf32>,
        %scan3A_271 = arith.constant 0 : i32
        scf.yield %scan3A_271 : i32
      }
      %scan3A_128 = arith.constant 64 : i32
      %rem3A_129 = arith.constant 4 : i32
      %rem3A_130 = arith.remsi %scan3A_15, %rem3A_129 : i32
      %eq3A = arith.constant 3 : i32
      %eq3A_131 = arith.cmpi eq, %rem3A_130, %eq3A : i32
      %convert_element_type3A_132 = arith.extui %eq3A_131 : i1 to i32
      %cond3A_133 = arith.constant 0 : i32
      %cond3A_134 = arith.cmpi ne, %convert_element_type3A_132, %cond3A_133 : i32
      scf.if %cond3A_134 {
        %add3A_136 = arith.addi %mul3A_2, %add3A_20 : i32
        %sub3A = arith.constant 7 : i32
        %sub3A_137 = arith.subi %add3A_136, %sub3A : i32
        %multiple_of3A = tpu.assume_multiple %sub3A_137, 8 : i32
        "tpu.region"() ({
          %run_scoped3A = tpu.sem_alloc : memref<!tpu.dma_semaphore, #tpu.memory_space<semaphore_mem>>
          %dma_start3A_138 = arith.constant 0 : i32
          %dma_start3A_139 = tpu.memref_slice %arg5[%multiple_of3A, %dma_start3A_138] : memref<4096x1024xf32, #tpu.memory_space<hbm>> -> memref<8x1024xf32, #tpu.memory_space<hbm>>
          %dma_start3A_140 = arith.constant 0 : i32
          %dma_start3A_141 = tpu.memref_slice %arg5[%multiple_of3A, %dma_start3A_140] : memref<4096x1024xf32, #tpu.memory_space<hbm>> -> memref<8x1024xf32, #tpu.memory_space<hbm>>
          tpu.enqueue_dma source(%arg10 : memref<8x1024xf32, #tpu.memory_space<vmem>>) target(%dma_start3A_141 : memref<8x1024xf32, #tpu.memory_space<hbm>>) target_semaphore(%run_scoped3A : memref<!tpu.dma_semaphore, #tpu.memory_space<semaphore_mem>>)
          %dma_wait3A_142 = arith.constant 0 : i32
          %dma_wait3A_143 = tpu.memref_slice %arg5[%multiple_of3A, %dma_wait3A_142] : memref<4096x1024xf32, #tpu.memory_space<hbm>> -> memref<8x1024xf32, #tpu.memory_space<hbm>>
          %dma_wait3A_144 = arith.constant 0 : i32
          %dma_wait3A_145 = tpu.memref_slice %arg5[%multiple_of3A, %dma_wait3A_144] : memref<4096x1024xf32, #tpu.memory_space<hbm>> -> memref<8x1024xf32, #tpu.memory_space<hbm>>
          tpu.wait_dma2 semaphore(%run_scoped3A : memref<!tpu.dma_semaphore, #tpu.memory_space<semaphore_mem>>) src(%arg10 : memref<8x1024xf32, #tpu.memory_space<vmem>>) dst(%dma_wait3A_145 : memref<8x1024xf32, #tpu.memory_space<hbm>>)
          tpu.yield
        }) : () -> ()
      } else {
      }
      %scan3A_135 = arith.constant 0 : i32
      scf.yield %scan3A_135 : i32
    }
    %scan3A_14 = arith.constant 64 : i32
    return
  }
}

module attributes {stable_mosaic.version = 14 : i64} {
  func.func @_tc_body(%arg0: i32, %arg1: memref<1024x1024xf32, #tpu.memory_space<vmem>>, %arg2: memref<256x512xf32, #tpu.memory_space<vmem>>, %arg3: memref<256x512xf32, #tpu.memory_space<vmem>>, %arg4: memref<1024x16xf32, #tpu.memory_space<vmem>>, %arg5: memref<1024x16xi32, #tpu.memory_space<vmem>>) attributes {dimension_semantics = [#tpu.dimension_semantics<arbitrary>], iteration_bounds = array<i64: 4>, scalar_prefetch = 0 : i64, scratch_operands = 0 : i64, tpu.core_type = #tpu.core_type<tc>, window_params = [{transform_indices = @transform_0, window_bounds = array<i64: 1024, 1024>}, {pipeline_mode = #tpu.pipeline_mode<synchronous>, transform_indices = @transform_1, window_bounds = array<i64: 256, 512>}, {pipeline_mode = #tpu.pipeline_mode<synchronous>, transform_indices = @transform_2, window_bounds = array<i64: 256, 512>}, {transform_indices = @transform_3, window_bounds = array<i64: 1024, 16>}, {transform_indices = @transform_4, window_bounds = array<i64: 1024, 16>}]} {
    %get3A = arith.constant 0 : index
    %get3A_0 = arith.constant 0 : index
    %get3A_1 = vector.load %arg1[%get3A, %get3A_0] : memref<1024x1024xf32, #tpu.memory_space<vmem>>, vector<1024x512xf32>
    %get3A_2 = arith.constant 0 : index
    %get3A_3 = arith.constant 512 : index
    %get3A_4 = vector.load %arg1[%get3A_2, %get3A_3] : memref<1024x1024xf32, #tpu.memory_space<vmem>>, vector<1024x512xf32>
    %get3A_5 = arith.constant 0 : index
    %get3A_6 = arith.constant 0 : index
    %get3A_7 = vector.load %arg2[%get3A_5, %get3A_6] : memref<256x512xf32, #tpu.memory_space<vmem>>, vector<256x512xf32>
    %convert_element_type3A = arith.truncf %get3A_1 : vector<1024x512xf32> to vector<1024x512xbf16>
    %convert_element_type3A_8 = arith.truncf %get3A_7 : vector<256x512xf32> to vector<256x512xbf16>
    %dot_general3A = arith.constant dense<0.000000e+00> : vector<1024x256xf32>
    %dot_general3A_9 = tpu.matmul %convert_element_type3A, %convert_element_type3A_8, %dot_general3A {dimension_numbers = #tpu.dot_dimension_numbers<[1], [1], [0], [0], [0, 0, 1, 0], [], []>, transpose_lhs_hint = false} : vector<1024x512xbf16>, vector<256x512xbf16>, vector<1024x256xf32> -> vector<1024x256xf32>
    %get3A_10 = arith.constant 0 : index
    %get3A_11 = arith.constant 0 : index
    %get3A_12 = vector.load %arg3[%get3A_10, %get3A_11] : memref<256x512xf32, #tpu.memory_space<vmem>>, vector<256x512xf32>
    %convert_element_type3A_13 = arith.truncf %get3A_4 : vector<1024x512xf32> to vector<1024x512xbf16>
    %convert_element_type3A_14 = arith.truncf %get3A_12 : vector<256x512xf32> to vector<256x512xbf16>
    %dot_general3A_15 = arith.constant dense<0.000000e+00> : vector<1024x256xf32>
    %dot_general3A_16 = tpu.matmul %convert_element_type3A_13, %convert_element_type3A_14, %dot_general3A_15 {dimension_numbers = #tpu.dot_dimension_numbers<[1], [1], [0], [0], [0, 0, 1, 0], [], []>, transpose_lhs_hint = false} : vector<1024x512xbf16>, vector<256x512xbf16>, vector<1024x256xf32> -> vector<1024x256xf32>
    %iota3A = tpu.iota {dimensions = array<i32: 1>} : vector<1024x256xi32>
    %convert_element_type3A_17 = arith.sitofp %iota3A : vector<1024x256xi32> to vector<1024x256xf32>
    %sub3A = arith.constant 2.550000e+02 : f32
    %sub3A_18 = vector.broadcast %sub3A : f32 to vector<1024x256xf32>
    %sub3A_19 = arith.subf %sub3A_18, %convert_element_type3A_17 : vector<1024x256xf32>
    %reduce_max3A = arith.constant dense<0xFF800000> : vector<1024xf32>
    %reduce_max3A_20 = vector.multi_reduction <maximumf>, %dot_general3A_9, %reduce_max3A [1] : vector<1024x256xf32> to vector<1024xf32>
    %broadcast_in_dim3A = vector.shape_cast %reduce_max3A_20 : vector<1024xf32> to vector<1024x1xf32>
    %ge3A = vector.broadcast %broadcast_in_dim3A : vector<1024x1xf32> to vector<1024x256xf32>
    %ge3A_21 = arith.cmpf oge, %dot_general3A_9, %ge3A : vector<1024x256xf32>
    %jit3A = arith.constant -1.000000e+00 : f32
    %broadcast_in_dim3A_22 = vector.broadcast %jit3A : f32 to vector<1024x256xf32>
    %select_n3A = arith.select %ge3A_21, %sub3A_19, %broadcast_in_dim3A_22 : vector<1024x256xi1>, vector<1024x256xf32>
    %reduce_max3A_23 = arith.constant dense<0xFF800000> : vector<1024xf32>
    %reduce_max3A_24 = vector.multi_reduction <maximumf>, %select_n3A, %reduce_max3A_23 [1] : vector<1024x256xf32> to vector<1024xf32>
    %broadcast_in_dim3A_25 = vector.shape_cast %reduce_max3A_24 : vector<1024xf32> to vector<1024x1xf32>
    %sub3A_26 = arith.constant 2.550000e+02 : f32
    %sub3A_27 = vector.broadcast %sub3A_26 : f32 to vector<1024x1xf32>
    %sub3A_28 = arith.subf %sub3A_27, %broadcast_in_dim3A_25 : vector<1024x1xf32>
    %eq3A = vector.broadcast %broadcast_in_dim3A_25 : vector<1024x1xf32> to vector<1024x256xf32>
    %eq3A_29 = arith.cmpf oeq, %select_n3A, %eq3A : vector<1024x256xf32>
    %jit3A_30 = arith.constant -1.000000e+30 : f32
    %broadcast_in_dim3A_31 = vector.broadcast %jit3A_30 : f32 to vector<1024x256xf32>
    %select_n3A_32 = arith.select %eq3A_29, %broadcast_in_dim3A_31, %dot_general3A_9 : vector<1024x256xi1>, vector<1024x256xf32>
    %reduce_max3A_33 = arith.constant dense<0xFF800000> : vector<1024xf32>
    %reduce_max3A_34 = vector.multi_reduction <maximumf>, %select_n3A_32, %reduce_max3A_33 [1] : vector<1024x256xf32> to vector<1024xf32>
    %broadcast_in_dim3A_35 = vector.shape_cast %reduce_max3A_34 : vector<1024xf32> to vector<1024x1xf32>
    %ge3A_36 = vector.broadcast %broadcast_in_dim3A_35 : vector<1024x1xf32> to vector<1024x256xf32>
    %ge3A_37 = arith.cmpf oge, %select_n3A_32, %ge3A_36 : vector<1024x256xf32>
    %jit3A_38 = arith.constant -1.000000e+00 : f32
    %broadcast_in_dim3A_39 = vector.broadcast %jit3A_38 : f32 to vector<1024x256xf32>
    %select_n3A_40 = arith.select %ge3A_37, %sub3A_19, %broadcast_in_dim3A_39 : vector<1024x256xi1>, vector<1024x256xf32>
    %reduce_max3A_41 = arith.constant dense<0xFF800000> : vector<1024xf32>
    %reduce_max3A_42 = vector.multi_reduction <maximumf>, %select_n3A_40, %reduce_max3A_41 [1] : vector<1024x256xf32> to vector<1024xf32>
    %broadcast_in_dim3A_43 = vector.shape_cast %reduce_max3A_42 : vector<1024xf32> to vector<1024x1xf32>
    %sub3A_44 = arith.constant 2.550000e+02 : f32
    %sub3A_45 = vector.broadcast %sub3A_44 : f32 to vector<1024x1xf32>
    %sub3A_46 = arith.subf %sub3A_45, %broadcast_in_dim3A_43 : vector<1024x1xf32>
    %eq3A_47 = vector.broadcast %broadcast_in_dim3A_43 : vector<1024x1xf32> to vector<1024x256xf32>
    %eq3A_48 = arith.cmpf oeq, %select_n3A_40, %eq3A_47 : vector<1024x256xf32>
    %jit3A_49 = arith.constant -1.000000e+30 : f32
    %broadcast_in_dim3A_50 = vector.broadcast %jit3A_49 : f32 to vector<1024x256xf32>
    %select_n3A_51 = arith.select %eq3A_48, %broadcast_in_dim3A_50, %select_n3A_32 : vector<1024x256xi1>, vector<1024x256xf32>
    %reduce_max3A_52 = arith.constant dense<0xFF800000> : vector<1024xf32>
    %reduce_max3A_53 = vector.multi_reduction <maximumf>, %select_n3A_51, %reduce_max3A_52 [1] : vector<1024x256xf32> to vector<1024xf32>
    %broadcast_in_dim3A_54 = vector.shape_cast %reduce_max3A_53 : vector<1024xf32> to vector<1024x1xf32>
    %ge3A_55 = vector.broadcast %broadcast_in_dim3A_54 : vector<1024x1xf32> to vector<1024x256xf32>
    %ge3A_56 = arith.cmpf oge, %select_n3A_51, %ge3A_55 : vector<1024x256xf32>
    %jit3A_57 = arith.constant -1.000000e+00 : f32
    %broadcast_in_dim3A_58 = vector.broadcast %jit3A_57 : f32 to vector<1024x256xf32>
    %select_n3A_59 = arith.select %ge3A_56, %sub3A_19, %broadcast_in_dim3A_58 : vector<1024x256xi1>, vector<1024x256xf32>
    %reduce_max3A_60 = arith.constant dense<0xFF800000> : vector<1024xf32>
    %reduce_max3A_61 = vector.multi_reduction <maximumf>, %select_n3A_59, %reduce_max3A_60 [1] : vector<1024x256xf32> to vector<1024xf32>
    %broadcast_in_dim3A_62 = vector.shape_cast %reduce_max3A_61 : vector<1024xf32> to vector<1024x1xf32>
    %sub3A_63 = arith.constant 2.550000e+02 : f32
    %sub3A_64 = vector.broadcast %sub3A_63 : f32 to vector<1024x1xf32>
    %sub3A_65 = arith.subf %sub3A_64, %broadcast_in_dim3A_62 : vector<1024x1xf32>
    %eq3A_66 = vector.broadcast %broadcast_in_dim3A_62 : vector<1024x1xf32> to vector<1024x256xf32>
    %eq3A_67 = arith.cmpf oeq, %select_n3A_59, %eq3A_66 : vector<1024x256xf32>
    %jit3A_68 = arith.constant -1.000000e+30 : f32
    %broadcast_in_dim3A_69 = vector.broadcast %jit3A_68 : f32 to vector<1024x256xf32>
    %select_n3A_70 = arith.select %eq3A_67, %broadcast_in_dim3A_69, %select_n3A_51 : vector<1024x256xi1>, vector<1024x256xf32>
    %reduce_max3A_71 = arith.constant dense<0xFF800000> : vector<1024xf32>
    %reduce_max3A_72 = vector.multi_reduction <maximumf>, %select_n3A_70, %reduce_max3A_71 [1] : vector<1024x256xf32> to vector<1024xf32>
    %broadcast_in_dim3A_73 = vector.shape_cast %reduce_max3A_72 : vector<1024xf32> to vector<1024x1xf32>
    %ge3A_74 = vector.broadcast %broadcast_in_dim3A_73 : vector<1024x1xf32> to vector<1024x256xf32>
    %ge3A_75 = arith.cmpf oge, %select_n3A_70, %ge3A_74 : vector<1024x256xf32>
    %jit3A_76 = arith.constant -1.000000e+00 : f32
    %broadcast_in_dim3A_77 = vector.broadcast %jit3A_76 : f32 to vector<1024x256xf32>
    %select_n3A_78 = arith.select %ge3A_75, %sub3A_19, %broadcast_in_dim3A_77 : vector<1024x256xi1>, vector<1024x256xf32>
    %reduce_max3A_79 = arith.constant dense<0xFF800000> : vector<1024xf32>
    %reduce_max3A_80 = vector.multi_reduction <maximumf>, %select_n3A_78, %reduce_max3A_79 [1] : vector<1024x256xf32> to vector<1024xf32>
    %broadcast_in_dim3A_81 = vector.shape_cast %reduce_max3A_80 : vector<1024xf32> to vector<1024x1xf32>
    %sub3A_82 = arith.constant 2.550000e+02 : f32
    %sub3A_83 = vector.broadcast %sub3A_82 : f32 to vector<1024x1xf32>
    %sub3A_84 = arith.subf %sub3A_83, %broadcast_in_dim3A_81 : vector<1024x1xf32>
    %eq3A_85 = vector.broadcast %broadcast_in_dim3A_81 : vector<1024x1xf32> to vector<1024x256xf32>
    %eq3A_86 = arith.cmpf oeq, %select_n3A_78, %eq3A_85 : vector<1024x256xf32>
    %jit3A_87 = arith.constant -1.000000e+30 : f32
    %broadcast_in_dim3A_88 = vector.broadcast %jit3A_87 : f32 to vector<1024x256xf32>
    %select_n3A_89 = arith.select %eq3A_86, %broadcast_in_dim3A_88, %select_n3A_70 : vector<1024x256xi1>, vector<1024x256xf32>
    %reduce_max3A_90 = arith.constant dense<0xFF800000> : vector<1024xf32>
    %reduce_max3A_91 = vector.multi_reduction <maximumf>, %select_n3A_89, %reduce_max3A_90 [1] : vector<1024x256xf32> to vector<1024xf32>
    %broadcast_in_dim3A_92 = vector.shape_cast %reduce_max3A_91 : vector<1024xf32> to vector<1024x1xf32>
    %ge3A_93 = vector.broadcast %broadcast_in_dim3A_92 : vector<1024x1xf32> to vector<1024x256xf32>
    %ge3A_94 = arith.cmpf oge, %select_n3A_89, %ge3A_93 : vector<1024x256xf32>
    %jit3A_95 = arith.constant -1.000000e+00 : f32
    %broadcast_in_dim3A_96 = vector.broadcast %jit3A_95 : f32 to vector<1024x256xf32>
    %select_n3A_97 = arith.select %ge3A_94, %sub3A_19, %broadcast_in_dim3A_96 : vector<1024x256xi1>, vector<1024x256xf32>
    %reduce_max3A_98 = arith.constant dense<0xFF800000> : vector<1024xf32>
    %reduce_max3A_99 = vector.multi_reduction <maximumf>, %select_n3A_97, %reduce_max3A_98 [1] : vector<1024x256xf32> to vector<1024xf32>
    %broadcast_in_dim3A_100 = vector.shape_cast %reduce_max3A_99 : vector<1024xf32> to vector<1024x1xf32>
    %sub3A_101 = arith.constant 2.550000e+02 : f32
    %sub3A_102 = vector.broadcast %sub3A_101 : f32 to vector<1024x1xf32>
    %sub3A_103 = arith.subf %sub3A_102, %broadcast_in_dim3A_100 : vector<1024x1xf32>
    %eq3A_104 = vector.broadcast %broadcast_in_dim3A_100 : vector<1024x1xf32> to vector<1024x256xf32>
    %eq3A_105 = arith.cmpf oeq, %select_n3A_97, %eq3A_104 : vector<1024x256xf32>
    %jit3A_106 = arith.constant -1.000000e+30 : f32
    %broadcast_in_dim3A_107 = vector.broadcast %jit3A_106 : f32 to vector<1024x256xf32>
    %select_n3A_108 = arith.select %eq3A_105, %broadcast_in_dim3A_107, %select_n3A_89 : vector<1024x256xi1>, vector<1024x256xf32>
    %reduce_max3A_109 = arith.constant dense<0xFF800000> : vector<1024xf32>
    %reduce_max3A_110 = vector.multi_reduction <maximumf>, %select_n3A_108, %reduce_max3A_109 [1] : vector<1024x256xf32> to vector<1024xf32>
    %broadcast_in_dim3A_111 = vector.shape_cast %reduce_max3A_110 : vector<1024xf32> to vector<1024x1xf32>
    %ge3A_112 = vector.broadcast %broadcast_in_dim3A_111 : vector<1024x1xf32> to vector<1024x256xf32>
    %ge3A_113 = arith.cmpf oge, %select_n3A_108, %ge3A_112 : vector<1024x256xf32>
    %jit3A_114 = arith.constant -1.000000e+00 : f32
    %broadcast_in_dim3A_115 = vector.broadcast %jit3A_114 : f32 to vector<1024x256xf32>
    %select_n3A_116 = arith.select %ge3A_113, %sub3A_19, %broadcast_in_dim3A_115 : vector<1024x256xi1>, vector<1024x256xf32>
    %reduce_max3A_117 = arith.constant dense<0xFF800000> : vector<1024xf32>
    %reduce_max3A_118 = vector.multi_reduction <maximumf>, %select_n3A_116, %reduce_max3A_117 [1] : vector<1024x256xf32> to vector<1024xf32>
    %broadcast_in_dim3A_119 = vector.shape_cast %reduce_max3A_118 : vector<1024xf32> to vector<1024x1xf32>
    %sub3A_120 = arith.constant 2.550000e+02 : f32
    %sub3A_121 = vector.broadcast %sub3A_120 : f32 to vector<1024x1xf32>
    %sub3A_122 = arith.subf %sub3A_121, %broadcast_in_dim3A_119 : vector<1024x1xf32>
    %eq3A_123 = vector.broadcast %broadcast_in_dim3A_119 : vector<1024x1xf32> to vector<1024x256xf32>
    %eq3A_124 = arith.cmpf oeq, %select_n3A_116, %eq3A_123 : vector<1024x256xf32>
    %jit3A_125 = arith.constant -1.000000e+30 : f32
    %broadcast_in_dim3A_126 = vector.broadcast %jit3A_125 : f32 to vector<1024x256xf32>
    %select_n3A_127 = arith.select %eq3A_124, %broadcast_in_dim3A_126, %select_n3A_108 : vector<1024x256xi1>, vector<1024x256xf32>
    %reduce_max3A_128 = arith.constant dense<0xFF800000> : vector<1024xf32>
    %reduce_max3A_129 = vector.multi_reduction <maximumf>, %select_n3A_127, %reduce_max3A_128 [1] : vector<1024x256xf32> to vector<1024xf32>
    %broadcast_in_dim3A_130 = vector.shape_cast %reduce_max3A_129 : vector<1024xf32> to vector<1024x1xf32>
    %ge3A_131 = vector.broadcast %broadcast_in_dim3A_130 : vector<1024x1xf32> to vector<1024x256xf32>
    %ge3A_132 = arith.cmpf oge, %select_n3A_127, %ge3A_131 : vector<1024x256xf32>
    %jit3A_133 = arith.constant -1.000000e+00 : f32
    %broadcast_in_dim3A_134 = vector.broadcast %jit3A_133 : f32 to vector<1024x256xf32>
    %select_n3A_135 = arith.select %ge3A_132, %sub3A_19, %broadcast_in_dim3A_134 : vector<1024x256xi1>, vector<1024x256xf32>
    %reduce_max3A_136 = arith.constant dense<0xFF800000> : vector<1024xf32>
    %reduce_max3A_137 = vector.multi_reduction <maximumf>, %select_n3A_135, %reduce_max3A_136 [1] : vector<1024x256xf32> to vector<1024xf32>
    %broadcast_in_dim3A_138 = vector.shape_cast %reduce_max3A_137 : vector<1024xf32> to vector<1024x1xf32>
    %sub3A_139 = arith.constant 2.550000e+02 : f32
    %sub3A_140 = vector.broadcast %sub3A_139 : f32 to vector<1024x1xf32>
    %sub3A_141 = arith.subf %sub3A_140, %broadcast_in_dim3A_138 : vector<1024x1xf32>
    %eq3A_142 = vector.broadcast %broadcast_in_dim3A_138 : vector<1024x1xf32> to vector<1024x256xf32>
    %eq3A_143 = arith.cmpf oeq, %select_n3A_135, %eq3A_142 : vector<1024x256xf32>
    %jit3A_144 = arith.constant -1.000000e+30 : f32
    %broadcast_in_dim3A_145 = vector.broadcast %jit3A_144 : f32 to vector<1024x256xf32>
    %select_n3A_146 = arith.select %eq3A_143, %broadcast_in_dim3A_145, %select_n3A_127 : vector<1024x256xi1>, vector<1024x256xf32>
    %reduce_max3A_147 = arith.constant dense<0xFF800000> : vector<1024xf32>
    %reduce_max3A_148 = vector.multi_reduction <maximumf>, %select_n3A_146, %reduce_max3A_147 [1] : vector<1024x256xf32> to vector<1024xf32>
    %broadcast_in_dim3A_149 = vector.shape_cast %reduce_max3A_148 : vector<1024xf32> to vector<1024x1xf32>
    %ge3A_150 = vector.broadcast %broadcast_in_dim3A_149 : vector<1024x1xf32> to vector<1024x256xf32>
    %ge3A_151 = arith.cmpf oge, %select_n3A_146, %ge3A_150 : vector<1024x256xf32>
    %jit3A_152 = arith.constant -1.000000e+00 : f32
    %broadcast_in_dim3A_153 = vector.broadcast %jit3A_152 : f32 to vector<1024x256xf32>
    %select_n3A_154 = arith.select %ge3A_151, %sub3A_19, %broadcast_in_dim3A_153 : vector<1024x256xi1>, vector<1024x256xf32>
    %reduce_max3A_155 = arith.constant dense<0xFF800000> : vector<1024xf32>
    %reduce_max3A_156 = vector.multi_reduction <maximumf>, %select_n3A_154, %reduce_max3A_155 [1] : vector<1024x256xf32> to vector<1024xf32>
    %broadcast_in_dim3A_157 = vector.shape_cast %reduce_max3A_156 : vector<1024xf32> to vector<1024x1xf32>
    %sub3A_158 = arith.constant 2.550000e+02 : f32
    %sub3A_159 = vector.broadcast %sub3A_158 : f32 to vector<1024x1xf32>
    %sub3A_160 = arith.subf %sub3A_159, %broadcast_in_dim3A_157 : vector<1024x1xf32>
    %eq3A_161 = vector.broadcast %broadcast_in_dim3A_157 : vector<1024x1xf32> to vector<1024x256xf32>
    %eq3A_162 = arith.cmpf oeq, %select_n3A_154, %eq3A_161 : vector<1024x256xf32>
    %jit3A_163 = arith.constant -1.000000e+30 : f32
    %broadcast_in_dim3A_164 = vector.broadcast %jit3A_163 : f32 to vector<1024x256xf32>
    %select_n3A_165 = arith.select %eq3A_162, %broadcast_in_dim3A_164, %select_n3A_146 : vector<1024x256xi1>, vector<1024x256xf32>
    %reduce_max3A_166 = arith.constant dense<0xFF800000> : vector<1024xf32>
    %reduce_max3A_167 = vector.multi_reduction <maximumf>, %select_n3A_165, %reduce_max3A_166 [1] : vector<1024x256xf32> to vector<1024xf32>
    %broadcast_in_dim3A_168 = vector.shape_cast %reduce_max3A_167 : vector<1024xf32> to vector<1024x1xf32>
    %ge3A_169 = vector.broadcast %broadcast_in_dim3A_168 : vector<1024x1xf32> to vector<1024x256xf32>
    %ge3A_170 = arith.cmpf oge, %select_n3A_165, %ge3A_169 : vector<1024x256xf32>
    %jit3A_171 = arith.constant -1.000000e+00 : f32
    %broadcast_in_dim3A_172 = vector.broadcast %jit3A_171 : f32 to vector<1024x256xf32>
    %select_n3A_173 = arith.select %ge3A_170, %sub3A_19, %broadcast_in_dim3A_172 : vector<1024x256xi1>, vector<1024x256xf32>
    %reduce_max3A_174 = arith.constant dense<0xFF800000> : vector<1024xf32>
    %reduce_max3A_175 = vector.multi_reduction <maximumf>, %select_n3A_173, %reduce_max3A_174 [1] : vector<1024x256xf32> to vector<1024xf32>
    %broadcast_in_dim3A_176 = vector.shape_cast %reduce_max3A_175 : vector<1024xf32> to vector<1024x1xf32>
    %sub3A_177 = arith.constant 2.550000e+02 : f32
    %sub3A_178 = vector.broadcast %sub3A_177 : f32 to vector<1024x1xf32>
    %sub3A_179 = arith.subf %sub3A_178, %broadcast_in_dim3A_176 : vector<1024x1xf32>
    %eq3A_180 = vector.broadcast %broadcast_in_dim3A_176 : vector<1024x1xf32> to vector<1024x256xf32>
    %eq3A_181 = arith.cmpf oeq, %select_n3A_173, %eq3A_180 : vector<1024x256xf32>
    %jit3A_182 = arith.constant -1.000000e+30 : f32
    %broadcast_in_dim3A_183 = vector.broadcast %jit3A_182 : f32 to vector<1024x256xf32>
    %select_n3A_184 = arith.select %eq3A_181, %broadcast_in_dim3A_183, %select_n3A_165 : vector<1024x256xi1>, vector<1024x256xf32>
    %reduce_max3A_185 = arith.constant dense<0xFF800000> : vector<1024xf32>
    %reduce_max3A_186 = vector.multi_reduction <maximumf>, %select_n3A_184, %reduce_max3A_185 [1] : vector<1024x256xf32> to vector<1024xf32>
    %broadcast_in_dim3A_187 = vector.shape_cast %reduce_max3A_186 : vector<1024xf32> to vector<1024x1xf32>
    %ge3A_188 = vector.broadcast %broadcast_in_dim3A_187 : vector<1024x1xf32> to vector<1024x256xf32>
    %ge3A_189 = arith.cmpf oge, %select_n3A_184, %ge3A_188 : vector<1024x256xf32>
    %jit3A_190 = arith.constant -1.000000e+00 : f32
    %broadcast_in_dim3A_191 = vector.broadcast %jit3A_190 : f32 to vector<1024x256xf32>
    %select_n3A_192 = arith.select %ge3A_189, %sub3A_19, %broadcast_in_dim3A_191 : vector<1024x256xi1>, vector<1024x256xf32>
    %reduce_max3A_193 = arith.constant dense<0xFF800000> : vector<1024xf32>
    %reduce_max3A_194 = vector.multi_reduction <maximumf>, %select_n3A_192, %reduce_max3A_193 [1] : vector<1024x256xf32> to vector<1024xf32>
    %broadcast_in_dim3A_195 = vector.shape_cast %reduce_max3A_194 : vector<1024xf32> to vector<1024x1xf32>
    %sub3A_196 = arith.constant 2.550000e+02 : f32
    %sub3A_197 = vector.broadcast %sub3A_196 : f32 to vector<1024x1xf32>
    %sub3A_198 = arith.subf %sub3A_197, %broadcast_in_dim3A_195 : vector<1024x1xf32>
    %eq3A_199 = vector.broadcast %broadcast_in_dim3A_195 : vector<1024x1xf32> to vector<1024x256xf32>
    %eq3A_200 = arith.cmpf oeq, %select_n3A_192, %eq3A_199 : vector<1024x256xf32>
    %jit3A_201 = arith.constant -1.000000e+30 : f32
    %broadcast_in_dim3A_202 = vector.broadcast %jit3A_201 : f32 to vector<1024x256xf32>
    %select_n3A_203 = arith.select %eq3A_200, %broadcast_in_dim3A_202, %select_n3A_184 : vector<1024x256xi1>, vector<1024x256xf32>
    %reduce_max3A_204 = arith.constant dense<0xFF800000> : vector<1024xf32>
    %reduce_max3A_205 = vector.multi_reduction <maximumf>, %select_n3A_203, %reduce_max3A_204 [1] : vector<1024x256xf32> to vector<1024xf32>
    %broadcast_in_dim3A_206 = vector.shape_cast %reduce_max3A_205 : vector<1024xf32> to vector<1024x1xf32>
    %ge3A_207 = vector.broadcast %broadcast_in_dim3A_206 : vector<1024x1xf32> to vector<1024x256xf32>
    %ge3A_208 = arith.cmpf oge, %select_n3A_203, %ge3A_207 : vector<1024x256xf32>
    %jit3A_209 = arith.constant -1.000000e+00 : f32
    %broadcast_in_dim3A_210 = vector.broadcast %jit3A_209 : f32 to vector<1024x256xf32>
    %select_n3A_211 = arith.select %ge3A_208, %sub3A_19, %broadcast_in_dim3A_210 : vector<1024x256xi1>, vector<1024x256xf32>
    %reduce_max3A_212 = arith.constant dense<0xFF800000> : vector<1024xf32>
    %reduce_max3A_213 = vector.multi_reduction <maximumf>, %select_n3A_211, %reduce_max3A_212 [1] : vector<1024x256xf32> to vector<1024xf32>
    %broadcast_in_dim3A_214 = vector.shape_cast %reduce_max3A_213 : vector<1024xf32> to vector<1024x1xf32>
    %sub3A_215 = arith.constant 2.550000e+02 : f32
    %sub3A_216 = vector.broadcast %sub3A_215 : f32 to vector<1024x1xf32>
    %sub3A_217 = arith.subf %sub3A_216, %broadcast_in_dim3A_214 : vector<1024x1xf32>
    %eq3A_218 = vector.broadcast %broadcast_in_dim3A_214 : vector<1024x1xf32> to vector<1024x256xf32>
    %eq3A_219 = arith.cmpf oeq, %select_n3A_211, %eq3A_218 : vector<1024x256xf32>
    %jit3A_220 = arith.constant -1.000000e+30 : f32
    %broadcast_in_dim3A_221 = vector.broadcast %jit3A_220 : f32 to vector<1024x256xf32>
    %select_n3A_222 = arith.select %eq3A_219, %broadcast_in_dim3A_221, %select_n3A_203 : vector<1024x256xi1>, vector<1024x256xf32>
    %reduce_max3A_223 = arith.constant dense<0xFF800000> : vector<1024xf32>
    %reduce_max3A_224 = vector.multi_reduction <maximumf>, %select_n3A_222, %reduce_max3A_223 [1] : vector<1024x256xf32> to vector<1024xf32>
    %broadcast_in_dim3A_225 = vector.shape_cast %reduce_max3A_224 : vector<1024xf32> to vector<1024x1xf32>
    %ge3A_226 = vector.broadcast %broadcast_in_dim3A_225 : vector<1024x1xf32> to vector<1024x256xf32>
    %ge3A_227 = arith.cmpf oge, %select_n3A_222, %ge3A_226 : vector<1024x256xf32>
    %jit3A_228 = arith.constant -1.000000e+00 : f32
    %broadcast_in_dim3A_229 = vector.broadcast %jit3A_228 : f32 to vector<1024x256xf32>
    %select_n3A_230 = arith.select %ge3A_227, %sub3A_19, %broadcast_in_dim3A_229 : vector<1024x256xi1>, vector<1024x256xf32>
    %reduce_max3A_231 = arith.constant dense<0xFF800000> : vector<1024xf32>
    %reduce_max3A_232 = vector.multi_reduction <maximumf>, %select_n3A_230, %reduce_max3A_231 [1] : vector<1024x256xf32> to vector<1024xf32>
    %broadcast_in_dim3A_233 = vector.shape_cast %reduce_max3A_232 : vector<1024xf32> to vector<1024x1xf32>
    %sub3A_234 = arith.constant 2.550000e+02 : f32
    %sub3A_235 = vector.broadcast %sub3A_234 : f32 to vector<1024x1xf32>
    %sub3A_236 = arith.subf %sub3A_235, %broadcast_in_dim3A_233 : vector<1024x1xf32>
    %eq3A_237 = vector.broadcast %broadcast_in_dim3A_233 : vector<1024x1xf32> to vector<1024x256xf32>
    %eq3A_238 = arith.cmpf oeq, %select_n3A_230, %eq3A_237 : vector<1024x256xf32>
    %jit3A_239 = arith.constant -1.000000e+30 : f32
    %broadcast_in_dim3A_240 = vector.broadcast %jit3A_239 : f32 to vector<1024x256xf32>
    %select_n3A_241 = arith.select %eq3A_238, %broadcast_in_dim3A_240, %select_n3A_222 : vector<1024x256xi1>, vector<1024x256xf32>
    %reduce_max3A_242 = arith.constant dense<0xFF800000> : vector<1024xf32>
    %reduce_max3A_243 = vector.multi_reduction <maximumf>, %select_n3A_241, %reduce_max3A_242 [1] : vector<1024x256xf32> to vector<1024xf32>
    %broadcast_in_dim3A_244 = vector.shape_cast %reduce_max3A_243 : vector<1024xf32> to vector<1024x1xf32>
    %ge3A_245 = vector.broadcast %broadcast_in_dim3A_244 : vector<1024x1xf32> to vector<1024x256xf32>
    %ge3A_246 = arith.cmpf oge, %select_n3A_241, %ge3A_245 : vector<1024x256xf32>
    %jit3A_247 = arith.constant -1.000000e+00 : f32
    %broadcast_in_dim3A_248 = vector.broadcast %jit3A_247 : f32 to vector<1024x256xf32>
    %select_n3A_249 = arith.select %ge3A_246, %sub3A_19, %broadcast_in_dim3A_248 : vector<1024x256xi1>, vector<1024x256xf32>
    %reduce_max3A_250 = arith.constant dense<0xFF800000> : vector<1024xf32>
    %reduce_max3A_251 = vector.multi_reduction <maximumf>, %select_n3A_249, %reduce_max3A_250 [1] : vector<1024x256xf32> to vector<1024xf32>
    %broadcast_in_dim3A_252 = vector.shape_cast %reduce_max3A_251 : vector<1024xf32> to vector<1024x1xf32>
    %sub3A_253 = arith.constant 2.550000e+02 : f32
    %sub3A_254 = vector.broadcast %sub3A_253 : f32 to vector<1024x1xf32>
    %sub3A_255 = arith.subf %sub3A_254, %broadcast_in_dim3A_252 : vector<1024x1xf32>
    %eq3A_256 = vector.broadcast %broadcast_in_dim3A_252 : vector<1024x1xf32> to vector<1024x256xf32>
    %eq3A_257 = arith.cmpf oeq, %select_n3A_249, %eq3A_256 : vector<1024x256xf32>
    %jit3A_258 = arith.constant -1.000000e+30 : f32
    %broadcast_in_dim3A_259 = vector.broadcast %jit3A_258 : f32 to vector<1024x256xf32>
    %select_n3A_260 = arith.select %eq3A_257, %broadcast_in_dim3A_259, %select_n3A_241 : vector<1024x256xi1>, vector<1024x256xf32>
    %reduce_max3A_261 = arith.constant dense<0xFF800000> : vector<1024xf32>
    %reduce_max3A_262 = vector.multi_reduction <maximumf>, %select_n3A_260, %reduce_max3A_261 [1] : vector<1024x256xf32> to vector<1024xf32>
    %broadcast_in_dim3A_263 = vector.shape_cast %reduce_max3A_262 : vector<1024xf32> to vector<1024x1xf32>
    %ge3A_264 = vector.broadcast %broadcast_in_dim3A_263 : vector<1024x1xf32> to vector<1024x256xf32>
    %ge3A_265 = arith.cmpf oge, %select_n3A_260, %ge3A_264 : vector<1024x256xf32>
    %jit3A_266 = arith.constant -1.000000e+00 : f32
    %broadcast_in_dim3A_267 = vector.broadcast %jit3A_266 : f32 to vector<1024x256xf32>
    %select_n3A_268 = arith.select %ge3A_265, %sub3A_19, %broadcast_in_dim3A_267 : vector<1024x256xi1>, vector<1024x256xf32>
    %reduce_max3A_269 = arith.constant dense<0xFF800000> : vector<1024xf32>
    %reduce_max3A_270 = vector.multi_reduction <maximumf>, %select_n3A_268, %reduce_max3A_269 [1] : vector<1024x256xf32> to vector<1024xf32>
    %broadcast_in_dim3A_271 = vector.shape_cast %reduce_max3A_270 : vector<1024xf32> to vector<1024x1xf32>
    %sub3A_272 = arith.constant 2.550000e+02 : f32
    %sub3A_273 = vector.broadcast %sub3A_272 : f32 to vector<1024x1xf32>
    %sub3A_274 = arith.subf %sub3A_273, %broadcast_in_dim3A_271 : vector<1024x1xf32>
    %eq3A_275 = vector.broadcast %broadcast_in_dim3A_271 : vector<1024x1xf32> to vector<1024x256xf32>
    %eq3A_276 = arith.cmpf oeq, %select_n3A_268, %eq3A_275 : vector<1024x256xf32>
    %jit3A_277 = arith.constant -1.000000e+30 : f32
    %broadcast_in_dim3A_278 = vector.broadcast %jit3A_277 : f32 to vector<1024x256xf32>
    %select_n3A_279 = arith.select %eq3A_276, %broadcast_in_dim3A_278, %select_n3A_260 : vector<1024x256xi1>, vector<1024x256xf32>
    %reduce_max3A_280 = arith.constant dense<0xFF800000> : vector<1024xf32>
    %reduce_max3A_281 = vector.multi_reduction <maximumf>, %select_n3A_279, %reduce_max3A_280 [1] : vector<1024x256xf32> to vector<1024xf32>
    %broadcast_in_dim3A_282 = vector.shape_cast %reduce_max3A_281 : vector<1024xf32> to vector<1024x1xf32>
    %ge3A_283 = vector.broadcast %broadcast_in_dim3A_282 : vector<1024x1xf32> to vector<1024x256xf32>
    %ge3A_284 = arith.cmpf oge, %select_n3A_279, %ge3A_283 : vector<1024x256xf32>
    %jit3A_285 = arith.constant -1.000000e+00 : f32
    %broadcast_in_dim3A_286 = vector.broadcast %jit3A_285 : f32 to vector<1024x256xf32>
    %select_n3A_287 = arith.select %ge3A_284, %sub3A_19, %broadcast_in_dim3A_286 : vector<1024x256xi1>, vector<1024x256xf32>
    %reduce_max3A_288 = arith.constant dense<0xFF800000> : vector<1024xf32>
    %reduce_max3A_289 = vector.multi_reduction <maximumf>, %select_n3A_287, %reduce_max3A_288 [1] : vector<1024x256xf32> to vector<1024xf32>
    %broadcast_in_dim3A_290 = vector.shape_cast %reduce_max3A_289 : vector<1024xf32> to vector<1024x1xf32>
    %sub3A_291 = arith.constant 2.550000e+02 : f32
    %sub3A_292 = vector.broadcast %sub3A_291 : f32 to vector<1024x1xf32>
    %sub3A_293 = arith.subf %sub3A_292, %broadcast_in_dim3A_290 : vector<1024x1xf32>
    %eq3A_294 = vector.broadcast %broadcast_in_dim3A_290 : vector<1024x1xf32> to vector<1024x256xf32>
    %eq3A_295 = arith.cmpf oeq, %select_n3A_287, %eq3A_294 : vector<1024x256xf32>
    %jit3A_296 = arith.constant -1.000000e+30 : f32
    %broadcast_in_dim3A_297 = vector.broadcast %jit3A_296 : f32 to vector<1024x256xf32>
    %select_n3A_298 = arith.select %eq3A_295, %broadcast_in_dim3A_297, %select_n3A_279 : vector<1024x256xi1>, vector<1024x256xf32>
    %reduce_max3A_299 = arith.constant dense<0xFF800000> : vector<1024xf32>
    %reduce_max3A_300 = vector.multi_reduction <maximumf>, %select_n3A_298, %reduce_max3A_299 [1] : vector<1024x256xf32> to vector<1024xf32>
    %broadcast_in_dim3A_301 = vector.shape_cast %reduce_max3A_300 : vector<1024xf32> to vector<1024x1xf32>
    %ge3A_302 = vector.broadcast %broadcast_in_dim3A_301 : vector<1024x1xf32> to vector<1024x256xf32>
    %ge3A_303 = arith.cmpf oge, %select_n3A_298, %ge3A_302 : vector<1024x256xf32>
    %jit3A_304 = arith.constant -1.000000e+00 : f32
    %broadcast_in_dim3A_305 = vector.broadcast %jit3A_304 : f32 to vector<1024x256xf32>
    %select_n3A_306 = arith.select %ge3A_303, %sub3A_19, %broadcast_in_dim3A_305 : vector<1024x256xi1>, vector<1024x256xf32>
    %reduce_max3A_307 = arith.constant dense<0xFF800000> : vector<1024xf32>
    %reduce_max3A_308 = vector.multi_reduction <maximumf>, %select_n3A_306, %reduce_max3A_307 [1] : vector<1024x256xf32> to vector<1024xf32>
    %broadcast_in_dim3A_309 = vector.shape_cast %reduce_max3A_308 : vector<1024xf32> to vector<1024x1xf32>
    %sub3A_310 = arith.constant 2.550000e+02 : f32
    %sub3A_311 = vector.broadcast %sub3A_310 : f32 to vector<1024x1xf32>
    %sub3A_312 = arith.subf %sub3A_311, %broadcast_in_dim3A_309 : vector<1024x1xf32>
    %concatenate3A = tpu.concatenate %broadcast_in_dim3A, %broadcast_in_dim3A_35, %broadcast_in_dim3A_54, %broadcast_in_dim3A_73, %broadcast_in_dim3A_92, %broadcast_in_dim3A_111, %broadcast_in_dim3A_130, %broadcast_in_dim3A_149, %broadcast_in_dim3A_168, %broadcast_in_dim3A_187, %broadcast_in_dim3A_206, %broadcast_in_dim3A_225, %broadcast_in_dim3A_244, %broadcast_in_dim3A_263, %broadcast_in_dim3A_282, %broadcast_in_dim3A_301 in 1 : vector<1024x1xf32>, vector<1024x1xf32>, vector<1024x1xf32>, vector<1024x1xf32>, vector<1024x1xf32>, vector<1024x1xf32>, vector<1024x1xf32>, vector<1024x1xf32>, vector<1024x1xf32>, vector<1024x1xf32>, vector<1024x1xf32>, vector<1024x1xf32>, vector<1024x1xf32>, vector<1024x1xf32>, vector<1024x1xf32>, vector<1024x1xf32> -> vector<1024x16xf32>
    %concatenate3A_313 = tpu.concatenate %sub3A_28, %sub3A_46, %sub3A_65, %sub3A_84, %sub3A_103, %sub3A_122, %sub3A_141, %sub3A_160, %sub3A_179, %sub3A_198, %sub3A_217, %sub3A_236, %sub3A_255, %sub3A_274, %sub3A_293, %sub3A_312 in 1 : vector<1024x1xf32>, vector<1024x1xf32>, vector<1024x1xf32>, vector<1024x1xf32>, vector<1024x1xf32>, vector<1024x1xf32>, vector<1024x1xf32>, vector<1024x1xf32>, vector<1024x1xf32>, vector<1024x1xf32>, vector<1024x1xf32>, vector<1024x1xf32>, vector<1024x1xf32>, vector<1024x1xf32>, vector<1024x1xf32>, vector<1024x1xf32> -> vector<1024x16xf32>
    %reduce_max3A_314 = arith.constant dense<0xFF800000> : vector<1024xf32>
    %reduce_max3A_315 = vector.multi_reduction <maximumf>, %dot_general3A_16, %reduce_max3A_314 [1] : vector<1024x256xf32> to vector<1024xf32>
    %broadcast_in_dim3A_316 = vector.shape_cast %reduce_max3A_315 : vector<1024xf32> to vector<1024x1xf32>
    %ge3A_317 = vector.broadcast %broadcast_in_dim3A_316 : vector<1024x1xf32> to vector<1024x256xf32>
    %ge3A_318 = arith.cmpf oge, %dot_general3A_16, %ge3A_317 : vector<1024x256xf32>
    %jit3A_319 = arith.constant -1.000000e+00 : f32
    %broadcast_in_dim3A_320 = vector.broadcast %jit3A_319 : f32 to vector<1024x256xf32>
    %select_n3A_321 = arith.select %ge3A_318, %sub3A_19, %broadcast_in_dim3A_320 : vector<1024x256xi1>, vector<1024x256xf32>
    %reduce_max3A_322 = arith.constant dense<0xFF800000> : vector<1024xf32>
    %reduce_max3A_323 = vector.multi_reduction <maximumf>, %select_n3A_321, %reduce_max3A_322 [1] : vector<1024x256xf32> to vector<1024xf32>
    %broadcast_in_dim3A_324 = vector.shape_cast %reduce_max3A_323 : vector<1024xf32> to vector<1024x1xf32>
    %sub3A_325 = arith.constant 2.550000e+02 : f32
    %sub3A_326 = vector.broadcast %sub3A_325 : f32 to vector<1024x1xf32>
    %sub3A_327 = arith.subf %sub3A_326, %broadcast_in_dim3A_324 : vector<1024x1xf32>
    %eq3A_328 = vector.broadcast %broadcast_in_dim3A_324 : vector<1024x1xf32> to vector<1024x256xf32>
    %eq3A_329 = arith.cmpf oeq, %select_n3A_321, %eq3A_328 : vector<1024x256xf32>
    %jit3A_330 = arith.constant -1.000000e+30 : f32
    %broadcast_in_dim3A_331 = vector.broadcast %jit3A_330 : f32 to vector<1024x256xf32>
    %select_n3A_332 = arith.select %eq3A_329, %broadcast_in_dim3A_331, %dot_general3A_16 : vector<1024x256xi1>, vector<1024x256xf32>
    %reduce_max3A_333 = arith.constant dense<0xFF800000> : vector<1024xf32>
    %reduce_max3A_334 = vector.multi_reduction <maximumf>, %select_n3A_332, %reduce_max3A_333 [1] : vector<1024x256xf32> to vector<1024xf32>
    %broadcast_in_dim3A_335 = vector.shape_cast %reduce_max3A_334 : vector<1024xf32> to vector<1024x1xf32>
    %ge3A_336 = vector.broadcast %broadcast_in_dim3A_335 : vector<1024x1xf32> to vector<1024x256xf32>
    %ge3A_337 = arith.cmpf oge, %select_n3A_332, %ge3A_336 : vector<1024x256xf32>
    %jit3A_338 = arith.constant -1.000000e+00 : f32
    %broadcast_in_dim3A_339 = vector.broadcast %jit3A_338 : f32 to vector<1024x256xf32>
    %select_n3A_340 = arith.select %ge3A_337, %sub3A_19, %broadcast_in_dim3A_339 : vector<1024x256xi1>, vector<1024x256xf32>
    %reduce_max3A_341 = arith.constant dense<0xFF800000> : vector<1024xf32>
    %reduce_max3A_342 = vector.multi_reduction <maximumf>, %select_n3A_340, %reduce_max3A_341 [1] : vector<1024x256xf32> to vector<1024xf32>
    %broadcast_in_dim3A_343 = vector.shape_cast %reduce_max3A_342 : vector<1024xf32> to vector<1024x1xf32>
    %sub3A_344 = arith.constant 2.550000e+02 : f32
    %sub3A_345 = vector.broadcast %sub3A_344 : f32 to vector<1024x1xf32>
    %sub3A_346 = arith.subf %sub3A_345, %broadcast_in_dim3A_343 : vector<1024x1xf32>
    %eq3A_347 = vector.broadcast %broadcast_in_dim3A_343 : vector<1024x1xf32> to vector<1024x256xf32>
    %eq3A_348 = arith.cmpf oeq, %select_n3A_340, %eq3A_347 : vector<1024x256xf32>
    %jit3A_349 = arith.constant -1.000000e+30 : f32
    %broadcast_in_dim3A_350 = vector.broadcast %jit3A_349 : f32 to vector<1024x256xf32>
    %select_n3A_351 = arith.select %eq3A_348, %broadcast_in_dim3A_350, %select_n3A_332 : vector<1024x256xi1>, vector<1024x256xf32>
    %reduce_max3A_352 = arith.constant dense<0xFF800000> : vector<1024xf32>
    %reduce_max3A_353 = vector.multi_reduction <maximumf>, %select_n3A_351, %reduce_max3A_352 [1] : vector<1024x256xf32> to vector<1024xf32>
    %broadcast_in_dim3A_354 = vector.shape_cast %reduce_max3A_353 : vector<1024xf32> to vector<1024x1xf32>
    %ge3A_355 = vector.broadcast %broadcast_in_dim3A_354 : vector<1024x1xf32> to vector<1024x256xf32>
    %ge3A_356 = arith.cmpf oge, %select_n3A_351, %ge3A_355 : vector<1024x256xf32>
    %jit3A_357 = arith.constant -1.000000e+00 : f32
    %broadcast_in_dim3A_358 = vector.broadcast %jit3A_357 : f32 to vector<1024x256xf32>
    %select_n3A_359 = arith.select %ge3A_356, %sub3A_19, %broadcast_in_dim3A_358 : vector<1024x256xi1>, vector<1024x256xf32>
    %reduce_max3A_360 = arith.constant dense<0xFF800000> : vector<1024xf32>
    %reduce_max3A_361 = vector.multi_reduction <maximumf>, %select_n3A_359, %reduce_max3A_360 [1] : vector<1024x256xf32> to vector<1024xf32>
    %broadcast_in_dim3A_362 = vector.shape_cast %reduce_max3A_361 : vector<1024xf32> to vector<1024x1xf32>
    %sub3A_363 = arith.constant 2.550000e+02 : f32
    %sub3A_364 = vector.broadcast %sub3A_363 : f32 to vector<1024x1xf32>
    %sub3A_365 = arith.subf %sub3A_364, %broadcast_in_dim3A_362 : vector<1024x1xf32>
    %eq3A_366 = vector.broadcast %broadcast_in_dim3A_362 : vector<1024x1xf32> to vector<1024x256xf32>
    %eq3A_367 = arith.cmpf oeq, %select_n3A_359, %eq3A_366 : vector<1024x256xf32>
    %jit3A_368 = arith.constant -1.000000e+30 : f32
    %broadcast_in_dim3A_369 = vector.broadcast %jit3A_368 : f32 to vector<1024x256xf32>
    %select_n3A_370 = arith.select %eq3A_367, %broadcast_in_dim3A_369, %select_n3A_351 : vector<1024x256xi1>, vector<1024x256xf32>
    %reduce_max3A_371 = arith.constant dense<0xFF800000> : vector<1024xf32>
    %reduce_max3A_372 = vector.multi_reduction <maximumf>, %select_n3A_370, %reduce_max3A_371 [1] : vector<1024x256xf32> to vector<1024xf32>
    %broadcast_in_dim3A_373 = vector.shape_cast %reduce_max3A_372 : vector<1024xf32> to vector<1024x1xf32>
    %ge3A_374 = vector.broadcast %broadcast_in_dim3A_373 : vector<1024x1xf32> to vector<1024x256xf32>
    %ge3A_375 = arith.cmpf oge, %select_n3A_370, %ge3A_374 : vector<1024x256xf32>
    %jit3A_376 = arith.constant -1.000000e+00 : f32
    %broadcast_in_dim3A_377 = vector.broadcast %jit3A_376 : f32 to vector<1024x256xf32>
    %select_n3A_378 = arith.select %ge3A_375, %sub3A_19, %broadcast_in_dim3A_377 : vector<1024x256xi1>, vector<1024x256xf32>
    %reduce_max3A_379 = arith.constant dense<0xFF800000> : vector<1024xf32>
    %reduce_max3A_380 = vector.multi_reduction <maximumf>, %select_n3A_378, %reduce_max3A_379 [1] : vector<1024x256xf32> to vector<1024xf32>
    %broadcast_in_dim3A_381 = vector.shape_cast %reduce_max3A_380 : vector<1024xf32> to vector<1024x1xf32>
    %sub3A_382 = arith.constant 2.550000e+02 : f32
    %sub3A_383 = vector.broadcast %sub3A_382 : f32 to vector<1024x1xf32>
    %sub3A_384 = arith.subf %sub3A_383, %broadcast_in_dim3A_381 : vector<1024x1xf32>
    %eq3A_385 = vector.broadcast %broadcast_in_dim3A_381 : vector<1024x1xf32> to vector<1024x256xf32>
    %eq3A_386 = arith.cmpf oeq, %select_n3A_378, %eq3A_385 : vector<1024x256xf32>
    %jit3A_387 = arith.constant -1.000000e+30 : f32
    %broadcast_in_dim3A_388 = vector.broadcast %jit3A_387 : f32 to vector<1024x256xf32>
    %select_n3A_389 = arith.select %eq3A_386, %broadcast_in_dim3A_388, %select_n3A_370 : vector<1024x256xi1>, vector<1024x256xf32>
    %reduce_max3A_390 = arith.constant dense<0xFF800000> : vector<1024xf32>
    %reduce_max3A_391 = vector.multi_reduction <maximumf>, %select_n3A_389, %reduce_max3A_390 [1] : vector<1024x256xf32> to vector<1024xf32>
    %broadcast_in_dim3A_392 = vector.shape_cast %reduce_max3A_391 : vector<1024xf32> to vector<1024x1xf32>
    %ge3A_393 = vector.broadcast %broadcast_in_dim3A_392 : vector<1024x1xf32> to vector<1024x256xf32>
    %ge3A_394 = arith.cmpf oge, %select_n3A_389, %ge3A_393 : vector<1024x256xf32>
    %jit3A_395 = arith.constant -1.000000e+00 : f32
    %broadcast_in_dim3A_396 = vector.broadcast %jit3A_395 : f32 to vector<1024x256xf32>
    %select_n3A_397 = arith.select %ge3A_394, %sub3A_19, %broadcast_in_dim3A_396 : vector<1024x256xi1>, vector<1024x256xf32>
    %reduce_max3A_398 = arith.constant dense<0xFF800000> : vector<1024xf32>
    %reduce_max3A_399 = vector.multi_reduction <maximumf>, %select_n3A_397, %reduce_max3A_398 [1] : vector<1024x256xf32> to vector<1024xf32>
    %broadcast_in_dim3A_400 = vector.shape_cast %reduce_max3A_399 : vector<1024xf32> to vector<1024x1xf32>
    %sub3A_401 = arith.constant 2.550000e+02 : f32
    %sub3A_402 = vector.broadcast %sub3A_401 : f32 to vector<1024x1xf32>
    %sub3A_403 = arith.subf %sub3A_402, %broadcast_in_dim3A_400 : vector<1024x1xf32>
    %eq3A_404 = vector.broadcast %broadcast_in_dim3A_400 : vector<1024x1xf32> to vector<1024x256xf32>
    %eq3A_405 = arith.cmpf oeq, %select_n3A_397, %eq3A_404 : vector<1024x256xf32>
    %jit3A_406 = arith.constant -1.000000e+30 : f32
    %broadcast_in_dim3A_407 = vector.broadcast %jit3A_406 : f32 to vector<1024x256xf32>
    %select_n3A_408 = arith.select %eq3A_405, %broadcast_in_dim3A_407, %select_n3A_389 : vector<1024x256xi1>, vector<1024x256xf32>
    %reduce_max3A_409 = arith.constant dense<0xFF800000> : vector<1024xf32>
    %reduce_max3A_410 = vector.multi_reduction <maximumf>, %select_n3A_408, %reduce_max3A_409 [1] : vector<1024x256xf32> to vector<1024xf32>
    %broadcast_in_dim3A_411 = vector.shape_cast %reduce_max3A_410 : vector<1024xf32> to vector<1024x1xf32>
    %ge3A_412 = vector.broadcast %broadcast_in_dim3A_411 : vector<1024x1xf32> to vector<1024x256xf32>
    %ge3A_413 = arith.cmpf oge, %select_n3A_408, %ge3A_412 : vector<1024x256xf32>
    %jit3A_414 = arith.constant -1.000000e+00 : f32
    %broadcast_in_dim3A_415 = vector.broadcast %jit3A_414 : f32 to vector<1024x256xf32>
    %select_n3A_416 = arith.select %ge3A_413, %sub3A_19, %broadcast_in_dim3A_415 : vector<1024x256xi1>, vector<1024x256xf32>
    %reduce_max3A_417 = arith.constant dense<0xFF800000> : vector<1024xf32>
    %reduce_max3A_418 = vector.multi_reduction <maximumf>, %select_n3A_416, %reduce_max3A_417 [1] : vector<1024x256xf32> to vector<1024xf32>
    %broadcast_in_dim3A_419 = vector.shape_cast %reduce_max3A_418 : vector<1024xf32> to vector<1024x1xf32>
    %sub3A_420 = arith.constant 2.550000e+02 : f32
    %sub3A_421 = vector.broadcast %sub3A_420 : f32 to vector<1024x1xf32>
    %sub3A_422 = arith.subf %sub3A_421, %broadcast_in_dim3A_419 : vector<1024x1xf32>
    %eq3A_423 = vector.broadcast %broadcast_in_dim3A_419 : vector<1024x1xf32> to vector<1024x256xf32>
    %eq3A_424 = arith.cmpf oeq, %select_n3A_416, %eq3A_423 : vector<1024x256xf32>
    %jit3A_425 = arith.constant -1.000000e+30 : f32
    %broadcast_in_dim3A_426 = vector.broadcast %jit3A_425 : f32 to vector<1024x256xf32>
    %select_n3A_427 = arith.select %eq3A_424, %broadcast_in_dim3A_426, %select_n3A_408 : vector<1024x256xi1>, vector<1024x256xf32>
    %reduce_max3A_428 = arith.constant dense<0xFF800000> : vector<1024xf32>
    %reduce_max3A_429 = vector.multi_reduction <maximumf>, %select_n3A_427, %reduce_max3A_428 [1] : vector<1024x256xf32> to vector<1024xf32>
    %broadcast_in_dim3A_430 = vector.shape_cast %reduce_max3A_429 : vector<1024xf32> to vector<1024x1xf32>
    %ge3A_431 = vector.broadcast %broadcast_in_dim3A_430 : vector<1024x1xf32> to vector<1024x256xf32>
    %ge3A_432 = arith.cmpf oge, %select_n3A_427, %ge3A_431 : vector<1024x256xf32>
    %jit3A_433 = arith.constant -1.000000e+00 : f32
    %broadcast_in_dim3A_434 = vector.broadcast %jit3A_433 : f32 to vector<1024x256xf32>
    %select_n3A_435 = arith.select %ge3A_432, %sub3A_19, %broadcast_in_dim3A_434 : vector<1024x256xi1>, vector<1024x256xf32>
    %reduce_max3A_436 = arith.constant dense<0xFF800000> : vector<1024xf32>
    %reduce_max3A_437 = vector.multi_reduction <maximumf>, %select_n3A_435, %reduce_max3A_436 [1] : vector<1024x256xf32> to vector<1024xf32>
    %broadcast_in_dim3A_438 = vector.shape_cast %reduce_max3A_437 : vector<1024xf32> to vector<1024x1xf32>
    %sub3A_439 = arith.constant 2.550000e+02 : f32
    %sub3A_440 = vector.broadcast %sub3A_439 : f32 to vector<1024x1xf32>
    %sub3A_441 = arith.subf %sub3A_440, %broadcast_in_dim3A_438 : vector<1024x1xf32>
    %eq3A_442 = vector.broadcast %broadcast_in_dim3A_438 : vector<1024x1xf32> to vector<1024x256xf32>
    %eq3A_443 = arith.cmpf oeq, %select_n3A_435, %eq3A_442 : vector<1024x256xf32>
    %jit3A_444 = arith.constant -1.000000e+30 : f32
    %broadcast_in_dim3A_445 = vector.broadcast %jit3A_444 : f32 to vector<1024x256xf32>
    %select_n3A_446 = arith.select %eq3A_443, %broadcast_in_dim3A_445, %select_n3A_427 : vector<1024x256xi1>, vector<1024x256xf32>
    %reduce_max3A_447 = arith.constant dense<0xFF800000> : vector<1024xf32>
    %reduce_max3A_448 = vector.multi_reduction <maximumf>, %select_n3A_446, %reduce_max3A_447 [1] : vector<1024x256xf32> to vector<1024xf32>
    %broadcast_in_dim3A_449 = vector.shape_cast %reduce_max3A_448 : vector<1024xf32> to vector<1024x1xf32>
    %ge3A_450 = vector.broadcast %broadcast_in_dim3A_449 : vector<1024x1xf32> to vector<1024x256xf32>
    %ge3A_451 = arith.cmpf oge, %select_n3A_446, %ge3A_450 : vector<1024x256xf32>
    %jit3A_452 = arith.constant -1.000000e+00 : f32
    %broadcast_in_dim3A_453 = vector.broadcast %jit3A_452 : f32 to vector<1024x256xf32>
    %select_n3A_454 = arith.select %ge3A_451, %sub3A_19, %broadcast_in_dim3A_453 : vector<1024x256xi1>, vector<1024x256xf32>
    %reduce_max3A_455 = arith.constant dense<0xFF800000> : vector<1024xf32>
    %reduce_max3A_456 = vector.multi_reduction <maximumf>, %select_n3A_454, %reduce_max3A_455 [1] : vector<1024x256xf32> to vector<1024xf32>
    %broadcast_in_dim3A_457 = vector.shape_cast %reduce_max3A_456 : vector<1024xf32> to vector<1024x1xf32>
    %sub3A_458 = arith.constant 2.550000e+02 : f32
    %sub3A_459 = vector.broadcast %sub3A_458 : f32 to vector<1024x1xf32>
    %sub3A_460 = arith.subf %sub3A_459, %broadcast_in_dim3A_457 : vector<1024x1xf32>
    %eq3A_461 = vector.broadcast %broadcast_in_dim3A_457 : vector<1024x1xf32> to vector<1024x256xf32>
    %eq3A_462 = arith.cmpf oeq, %select_n3A_454, %eq3A_461 : vector<1024x256xf32>
    %jit3A_463 = arith.constant -1.000000e+30 : f32
    %broadcast_in_dim3A_464 = vector.broadcast %jit3A_463 : f32 to vector<1024x256xf32>
    %select_n3A_465 = arith.select %eq3A_462, %broadcast_in_dim3A_464, %select_n3A_446 : vector<1024x256xi1>, vector<1024x256xf32>
    %reduce_max3A_466 = arith.constant dense<0xFF800000> : vector<1024xf32>
    %reduce_max3A_467 = vector.multi_reduction <maximumf>, %select_n3A_465, %reduce_max3A_466 [1] : vector<1024x256xf32> to vector<1024xf32>
    %broadcast_in_dim3A_468 = vector.shape_cast %reduce_max3A_467 : vector<1024xf32> to vector<1024x1xf32>
    %ge3A_469 = vector.broadcast %broadcast_in_dim3A_468 : vector<1024x1xf32> to vector<1024x256xf32>
    %ge3A_470 = arith.cmpf oge, %select_n3A_465, %ge3A_469 : vector<1024x256xf32>
    %jit3A_471 = arith.constant -1.000000e+00 : f32
    %broadcast_in_dim3A_472 = vector.broadcast %jit3A_471 : f32 to vector<1024x256xf32>
    %select_n3A_473 = arith.select %ge3A_470, %sub3A_19, %broadcast_in_dim3A_472 : vector<1024x256xi1>, vector<1024x256xf32>
    %reduce_max3A_474 = arith.constant dense<0xFF800000> : vector<1024xf32>
    %reduce_max3A_475 = vector.multi_reduction <maximumf>, %select_n3A_473, %reduce_max3A_474 [1] : vector<1024x256xf32> to vector<1024xf32>
    %broadcast_in_dim3A_476 = vector.shape_cast %reduce_max3A_475 : vector<1024xf32> to vector<1024x1xf32>
    %sub3A_477 = arith.constant 2.550000e+02 : f32
    %sub3A_478 = vector.broadcast %sub3A_477 : f32 to vector<1024x1xf32>
    %sub3A_479 = arith.subf %sub3A_478, %broadcast_in_dim3A_476 : vector<1024x1xf32>
    %eq3A_480 = vector.broadcast %broadcast_in_dim3A_476 : vector<1024x1xf32> to vector<1024x256xf32>
    %eq3A_481 = arith.cmpf oeq, %select_n3A_473, %eq3A_480 : vector<1024x256xf32>
    %jit3A_482 = arith.constant -1.000000e+30 : f32
    %broadcast_in_dim3A_483 = vector.broadcast %jit3A_482 : f32 to vector<1024x256xf32>
    %select_n3A_484 = arith.select %eq3A_481, %broadcast_in_dim3A_483, %select_n3A_465 : vector<1024x256xi1>, vector<1024x256xf32>
    %reduce_max3A_485 = arith.constant dense<0xFF800000> : vector<1024xf32>
    %reduce_max3A_486 = vector.multi_reduction <maximumf>, %select_n3A_484, %reduce_max3A_485 [1] : vector<1024x256xf32> to vector<1024xf32>
    %broadcast_in_dim3A_487 = vector.shape_cast %reduce_max3A_486 : vector<1024xf32> to vector<1024x1xf32>
    %ge3A_488 = vector.broadcast %broadcast_in_dim3A_487 : vector<1024x1xf32> to vector<1024x256xf32>
    %ge3A_489 = arith.cmpf oge, %select_n3A_484, %ge3A_488 : vector<1024x256xf32>
    %jit3A_490 = arith.constant -1.000000e+00 : f32
    %broadcast_in_dim3A_491 = vector.broadcast %jit3A_490 : f32 to vector<1024x256xf32>
    %select_n3A_492 = arith.select %ge3A_489, %sub3A_19, %broadcast_in_dim3A_491 : vector<1024x256xi1>, vector<1024x256xf32>
    %reduce_max3A_493 = arith.constant dense<0xFF800000> : vector<1024xf32>
    %reduce_max3A_494 = vector.multi_reduction <maximumf>, %select_n3A_492, %reduce_max3A_493 [1] : vector<1024x256xf32> to vector<1024xf32>
    %broadcast_in_dim3A_495 = vector.shape_cast %reduce_max3A_494 : vector<1024xf32> to vector<1024x1xf32>
    %sub3A_496 = arith.constant 2.550000e+02 : f32
    %sub3A_497 = vector.broadcast %sub3A_496 : f32 to vector<1024x1xf32>
    %sub3A_498 = arith.subf %sub3A_497, %broadcast_in_dim3A_495 : vector<1024x1xf32>
    %eq3A_499 = vector.broadcast %broadcast_in_dim3A_495 : vector<1024x1xf32> to vector<1024x256xf32>
    %eq3A_500 = arith.cmpf oeq, %select_n3A_492, %eq3A_499 : vector<1024x256xf32>
    %jit3A_501 = arith.constant -1.000000e+30 : f32
    %broadcast_in_dim3A_502 = vector.broadcast %jit3A_501 : f32 to vector<1024x256xf32>
    %select_n3A_503 = arith.select %eq3A_500, %broadcast_in_dim3A_502, %select_n3A_484 : vector<1024x256xi1>, vector<1024x256xf32>
    %reduce_max3A_504 = arith.constant dense<0xFF800000> : vector<1024xf32>
    %reduce_max3A_505 = vector.multi_reduction <maximumf>, %select_n3A_503, %reduce_max3A_504 [1] : vector<1024x256xf32> to vector<1024xf32>
    %broadcast_in_dim3A_506 = vector.shape_cast %reduce_max3A_505 : vector<1024xf32> to vector<1024x1xf32>
    %ge3A_507 = vector.broadcast %broadcast_in_dim3A_506 : vector<1024x1xf32> to vector<1024x256xf32>
    %ge3A_508 = arith.cmpf oge, %select_n3A_503, %ge3A_507 : vector<1024x256xf32>
    %jit3A_509 = arith.constant -1.000000e+00 : f32
    %broadcast_in_dim3A_510 = vector.broadcast %jit3A_509 : f32 to vector<1024x256xf32>
    %select_n3A_511 = arith.select %ge3A_508, %sub3A_19, %broadcast_in_dim3A_510 : vector<1024x256xi1>, vector<1024x256xf32>
    %reduce_max3A_512 = arith.constant dense<0xFF800000> : vector<1024xf32>
    %reduce_max3A_513 = vector.multi_reduction <maximumf>, %select_n3A_511, %reduce_max3A_512 [1] : vector<1024x256xf32> to vector<1024xf32>
    %broadcast_in_dim3A_514 = vector.shape_cast %reduce_max3A_513 : vector<1024xf32> to vector<1024x1xf32>
    %sub3A_515 = arith.constant 2.550000e+02 : f32
    %sub3A_516 = vector.broadcast %sub3A_515 : f32 to vector<1024x1xf32>
    %sub3A_517 = arith.subf %sub3A_516, %broadcast_in_dim3A_514 : vector<1024x1xf32>
    %eq3A_518 = vector.broadcast %broadcast_in_dim3A_514 : vector<1024x1xf32> to vector<1024x256xf32>
    %eq3A_519 = arith.cmpf oeq, %select_n3A_511, %eq3A_518 : vector<1024x256xf32>
    %jit3A_520 = arith.constant -1.000000e+30 : f32
    %broadcast_in_dim3A_521 = vector.broadcast %jit3A_520 : f32 to vector<1024x256xf32>
    %select_n3A_522 = arith.select %eq3A_519, %broadcast_in_dim3A_521, %select_n3A_503 : vector<1024x256xi1>, vector<1024x256xf32>
    %reduce_max3A_523 = arith.constant dense<0xFF800000> : vector<1024xf32>
    %reduce_max3A_524 = vector.multi_reduction <maximumf>, %select_n3A_522, %reduce_max3A_523 [1] : vector<1024x256xf32> to vector<1024xf32>
    %broadcast_in_dim3A_525 = vector.shape_cast %reduce_max3A_524 : vector<1024xf32> to vector<1024x1xf32>
    %ge3A_526 = vector.broadcast %broadcast_in_dim3A_525 : vector<1024x1xf32> to vector<1024x256xf32>
    %ge3A_527 = arith.cmpf oge, %select_n3A_522, %ge3A_526 : vector<1024x256xf32>
    %jit3A_528 = arith.constant -1.000000e+00 : f32
    %broadcast_in_dim3A_529 = vector.broadcast %jit3A_528 : f32 to vector<1024x256xf32>
    %select_n3A_530 = arith.select %ge3A_527, %sub3A_19, %broadcast_in_dim3A_529 : vector<1024x256xi1>, vector<1024x256xf32>
    %reduce_max3A_531 = arith.constant dense<0xFF800000> : vector<1024xf32>
    %reduce_max3A_532 = vector.multi_reduction <maximumf>, %select_n3A_530, %reduce_max3A_531 [1] : vector<1024x256xf32> to vector<1024xf32>
    %broadcast_in_dim3A_533 = vector.shape_cast %reduce_max3A_532 : vector<1024xf32> to vector<1024x1xf32>
    %sub3A_534 = arith.constant 2.550000e+02 : f32
    %sub3A_535 = vector.broadcast %sub3A_534 : f32 to vector<1024x1xf32>
    %sub3A_536 = arith.subf %sub3A_535, %broadcast_in_dim3A_533 : vector<1024x1xf32>
    %eq3A_537 = vector.broadcast %broadcast_in_dim3A_533 : vector<1024x1xf32> to vector<1024x256xf32>
    %eq3A_538 = arith.cmpf oeq, %select_n3A_530, %eq3A_537 : vector<1024x256xf32>
    %jit3A_539 = arith.constant -1.000000e+30 : f32
    %broadcast_in_dim3A_540 = vector.broadcast %jit3A_539 : f32 to vector<1024x256xf32>
    %select_n3A_541 = arith.select %eq3A_538, %broadcast_in_dim3A_540, %select_n3A_522 : vector<1024x256xi1>, vector<1024x256xf32>
    %reduce_max3A_542 = arith.constant dense<0xFF800000> : vector<1024xf32>
    %reduce_max3A_543 = vector.multi_reduction <maximumf>, %select_n3A_541, %reduce_max3A_542 [1] : vector<1024x256xf32> to vector<1024xf32>
    %broadcast_in_dim3A_544 = vector.shape_cast %reduce_max3A_543 : vector<1024xf32> to vector<1024x1xf32>
    %ge3A_545 = vector.broadcast %broadcast_in_dim3A_544 : vector<1024x1xf32> to vector<1024x256xf32>
    %ge3A_546 = arith.cmpf oge, %select_n3A_541, %ge3A_545 : vector<1024x256xf32>
    %jit3A_547 = arith.constant -1.000000e+00 : f32
    %broadcast_in_dim3A_548 = vector.broadcast %jit3A_547 : f32 to vector<1024x256xf32>
    %select_n3A_549 = arith.select %ge3A_546, %sub3A_19, %broadcast_in_dim3A_548 : vector<1024x256xi1>, vector<1024x256xf32>
    %reduce_max3A_550 = arith.constant dense<0xFF800000> : vector<1024xf32>
    %reduce_max3A_551 = vector.multi_reduction <maximumf>, %select_n3A_549, %reduce_max3A_550 [1] : vector<1024x256xf32> to vector<1024xf32>
    %broadcast_in_dim3A_552 = vector.shape_cast %reduce_max3A_551 : vector<1024xf32> to vector<1024x1xf32>
    %sub3A_553 = arith.constant 2.550000e+02 : f32
    %sub3A_554 = vector.broadcast %sub3A_553 : f32 to vector<1024x1xf32>
    %sub3A_555 = arith.subf %sub3A_554, %broadcast_in_dim3A_552 : vector<1024x1xf32>
    %eq3A_556 = vector.broadcast %broadcast_in_dim3A_552 : vector<1024x1xf32> to vector<1024x256xf32>
    %eq3A_557 = arith.cmpf oeq, %select_n3A_549, %eq3A_556 : vector<1024x256xf32>
    %jit3A_558 = arith.constant -1.000000e+30 : f32
    %broadcast_in_dim3A_559 = vector.broadcast %jit3A_558 : f32 to vector<1024x256xf32>
    %select_n3A_560 = arith.select %eq3A_557, %broadcast_in_dim3A_559, %select_n3A_541 : vector<1024x256xi1>, vector<1024x256xf32>
    %reduce_max3A_561 = arith.constant dense<0xFF800000> : vector<1024xf32>
    %reduce_max3A_562 = vector.multi_reduction <maximumf>, %select_n3A_560, %reduce_max3A_561 [1] : vector<1024x256xf32> to vector<1024xf32>
    %broadcast_in_dim3A_563 = vector.shape_cast %reduce_max3A_562 : vector<1024xf32> to vector<1024x1xf32>
    %ge3A_564 = vector.broadcast %broadcast_in_dim3A_563 : vector<1024x1xf32> to vector<1024x256xf32>
    %ge3A_565 = arith.cmpf oge, %select_n3A_560, %ge3A_564 : vector<1024x256xf32>
    %jit3A_566 = arith.constant -1.000000e+00 : f32
    %broadcast_in_dim3A_567 = vector.broadcast %jit3A_566 : f32 to vector<1024x256xf32>
    %select_n3A_568 = arith.select %ge3A_565, %sub3A_19, %broadcast_in_dim3A_567 : vector<1024x256xi1>, vector<1024x256xf32>
    %reduce_max3A_569 = arith.constant dense<0xFF800000> : vector<1024xf32>
    %reduce_max3A_570 = vector.multi_reduction <maximumf>, %select_n3A_568, %reduce_max3A_569 [1] : vector<1024x256xf32> to vector<1024xf32>
    %broadcast_in_dim3A_571 = vector.shape_cast %reduce_max3A_570 : vector<1024xf32> to vector<1024x1xf32>
    %sub3A_572 = arith.constant 2.550000e+02 : f32
    %sub3A_573 = vector.broadcast %sub3A_572 : f32 to vector<1024x1xf32>
    %sub3A_574 = arith.subf %sub3A_573, %broadcast_in_dim3A_571 : vector<1024x1xf32>
    %eq3A_575 = vector.broadcast %broadcast_in_dim3A_571 : vector<1024x1xf32> to vector<1024x256xf32>
    %eq3A_576 = arith.cmpf oeq, %select_n3A_568, %eq3A_575 : vector<1024x256xf32>
    %jit3A_577 = arith.constant -1.000000e+30 : f32
    %broadcast_in_dim3A_578 = vector.broadcast %jit3A_577 : f32 to vector<1024x256xf32>
    %select_n3A_579 = arith.select %eq3A_576, %broadcast_in_dim3A_578, %select_n3A_560 : vector<1024x256xi1>, vector<1024x256xf32>
    %reduce_max3A_580 = arith.constant dense<0xFF800000> : vector<1024xf32>
    %reduce_max3A_581 = vector.multi_reduction <maximumf>, %select_n3A_579, %reduce_max3A_580 [1] : vector<1024x256xf32> to vector<1024xf32>
    %broadcast_in_dim3A_582 = vector.shape_cast %reduce_max3A_581 : vector<1024xf32> to vector<1024x1xf32>
    %ge3A_583 = vector.broadcast %broadcast_in_dim3A_582 : vector<1024x1xf32> to vector<1024x256xf32>
    %ge3A_584 = arith.cmpf oge, %select_n3A_579, %ge3A_583 : vector<1024x256xf32>
    %jit3A_585 = arith.constant -1.000000e+00 : f32
    %broadcast_in_dim3A_586 = vector.broadcast %jit3A_585 : f32 to vector<1024x256xf32>
    %select_n3A_587 = arith.select %ge3A_584, %sub3A_19, %broadcast_in_dim3A_586 : vector<1024x256xi1>, vector<1024x256xf32>
    %reduce_max3A_588 = arith.constant dense<0xFF800000> : vector<1024xf32>
    %reduce_max3A_589 = vector.multi_reduction <maximumf>, %select_n3A_587, %reduce_max3A_588 [1] : vector<1024x256xf32> to vector<1024xf32>
    %broadcast_in_dim3A_590 = vector.shape_cast %reduce_max3A_589 : vector<1024xf32> to vector<1024x1xf32>
    %sub3A_591 = arith.constant 2.550000e+02 : f32
    %sub3A_592 = vector.broadcast %sub3A_591 : f32 to vector<1024x1xf32>
    %sub3A_593 = arith.subf %sub3A_592, %broadcast_in_dim3A_590 : vector<1024x1xf32>
    %eq3A_594 = vector.broadcast %broadcast_in_dim3A_590 : vector<1024x1xf32> to vector<1024x256xf32>
    %eq3A_595 = arith.cmpf oeq, %select_n3A_587, %eq3A_594 : vector<1024x256xf32>
    %jit3A_596 = arith.constant -1.000000e+30 : f32
    %broadcast_in_dim3A_597 = vector.broadcast %jit3A_596 : f32 to vector<1024x256xf32>
    %select_n3A_598 = arith.select %eq3A_595, %broadcast_in_dim3A_597, %select_n3A_579 : vector<1024x256xi1>, vector<1024x256xf32>
    %reduce_max3A_599 = arith.constant dense<0xFF800000> : vector<1024xf32>
    %reduce_max3A_600 = vector.multi_reduction <maximumf>, %select_n3A_598, %reduce_max3A_599 [1] : vector<1024x256xf32> to vector<1024xf32>
    %broadcast_in_dim3A_601 = vector.shape_cast %reduce_max3A_600 : vector<1024xf32> to vector<1024x1xf32>
    %ge3A_602 = vector.broadcast %broadcast_in_dim3A_601 : vector<1024x1xf32> to vector<1024x256xf32>
    %ge3A_603 = arith.cmpf oge, %select_n3A_598, %ge3A_602 : vector<1024x256xf32>
    %jit3A_604 = arith.constant -1.000000e+00 : f32
    %broadcast_in_dim3A_605 = vector.broadcast %jit3A_604 : f32 to vector<1024x256xf32>
    %select_n3A_606 = arith.select %ge3A_603, %sub3A_19, %broadcast_in_dim3A_605 : vector<1024x256xi1>, vector<1024x256xf32>
    %reduce_max3A_607 = arith.constant dense<0xFF800000> : vector<1024xf32>
    %reduce_max3A_608 = vector.multi_reduction <maximumf>, %select_n3A_606, %reduce_max3A_607 [1] : vector<1024x256xf32> to vector<1024xf32>
    %broadcast_in_dim3A_609 = vector.shape_cast %reduce_max3A_608 : vector<1024xf32> to vector<1024x1xf32>
    %sub3A_610 = arith.constant 2.550000e+02 : f32
    %sub3A_611 = vector.broadcast %sub3A_610 : f32 to vector<1024x1xf32>
    %sub3A_612 = arith.subf %sub3A_611, %broadcast_in_dim3A_609 : vector<1024x1xf32>
    %concatenate3A_613 = tpu.concatenate %broadcast_in_dim3A_316, %broadcast_in_dim3A_335, %broadcast_in_dim3A_354, %broadcast_in_dim3A_373, %broadcast_in_dim3A_392, %broadcast_in_dim3A_411, %broadcast_in_dim3A_430, %broadcast_in_dim3A_449, %broadcast_in_dim3A_468, %broadcast_in_dim3A_487, %broadcast_in_dim3A_506, %broadcast_in_dim3A_525, %broadcast_in_dim3A_544, %broadcast_in_dim3A_563, %broadcast_in_dim3A_582, %broadcast_in_dim3A_601 in 1 : vector<1024x1xf32>, vector<1024x1xf32>, vector<1024x1xf32>, vector<1024x1xf32>, vector<1024x1xf32>, vector<1024x1xf32>, vector<1024x1xf32>, vector<1024x1xf32>, vector<1024x1xf32>, vector<1024x1xf32>, vector<1024x1xf32>, vector<1024x1xf32>, vector<1024x1xf32>, vector<1024x1xf32>, vector<1024x1xf32>, vector<1024x1xf32> -> vector<1024x16xf32>
    %concatenate3A_614 = tpu.concatenate %sub3A_327, %sub3A_346, %sub3A_365, %sub3A_384, %sub3A_403, %sub3A_422, %sub3A_441, %sub3A_460, %sub3A_479, %sub3A_498, %sub3A_517, %sub3A_536, %sub3A_555, %sub3A_574, %sub3A_593, %sub3A_612 in 1 : vector<1024x1xf32>, vector<1024x1xf32>, vector<1024x1xf32>, vector<1024x1xf32>, vector<1024x1xf32>, vector<1024x1xf32>, vector<1024x1xf32>, vector<1024x1xf32>, vector<1024x1xf32>, vector<1024x1xf32>, vector<1024x1xf32>, vector<1024x1xf32>, vector<1024x1xf32>, vector<1024x1xf32>, vector<1024x1xf32>, vector<1024x1xf32> -> vector<1024x16xf32>
    %slice3A = vector.extract_strided_slice %concatenate3A {offsets = [0, 0], sizes = [1024, 1], strides = [1, 1]} : vector<1024x16xf32> to vector<1024x1xf32>
    %mul3A = vector.broadcast %slice3A : vector<1024x1xf32> to vector<1024x16xf32>
    %mul3A_615 = arith.mulf %mul3A, %concatenate3A_613 : vector<1024x16xf32>
    %slice3A_616 = vector.extract_strided_slice %concatenate3A {offsets = [0, 1], sizes = [1024, 1], strides = [1, 1]} : vector<1024x16xf32> to vector<1024x1xf32>
    %mul3A_617 = vector.broadcast %slice3A_616 : vector<1024x1xf32> to vector<1024x16xf32>
    %mul3A_618 = arith.mulf %mul3A_617, %concatenate3A_613 : vector<1024x16xf32>
    %slice3A_619 = vector.extract_strided_slice %concatenate3A {offsets = [0, 2], sizes = [1024, 1], strides = [1, 1]} : vector<1024x16xf32> to vector<1024x1xf32>
    %mul3A_620 = vector.broadcast %slice3A_619 : vector<1024x1xf32> to vector<1024x16xf32>
    %mul3A_621 = arith.mulf %mul3A_620, %concatenate3A_613 : vector<1024x16xf32>
    %slice3A_622 = vector.extract_strided_slice %concatenate3A {offsets = [0, 3], sizes = [1024, 1], strides = [1, 1]} : vector<1024x16xf32> to vector<1024x1xf32>
    %mul3A_623 = vector.broadcast %slice3A_622 : vector<1024x1xf32> to vector<1024x16xf32>
    %mul3A_624 = arith.mulf %mul3A_623, %concatenate3A_613 : vector<1024x16xf32>
    %slice3A_625 = vector.extract_strided_slice %concatenate3A {offsets = [0, 4], sizes = [1024, 1], strides = [1, 1]} : vector<1024x16xf32> to vector<1024x1xf32>
    %mul3A_626 = vector.broadcast %slice3A_625 : vector<1024x1xf32> to vector<1024x16xf32>
    %mul3A_627 = arith.mulf %mul3A_626, %concatenate3A_613 : vector<1024x16xf32>
    %slice3A_628 = vector.extract_strided_slice %concatenate3A {offsets = [0, 5], sizes = [1024, 1], strides = [1, 1]} : vector<1024x16xf32> to vector<1024x1xf32>
    %mul3A_629 = vector.broadcast %slice3A_628 : vector<1024x1xf32> to vector<1024x16xf32>
    %mul3A_630 = arith.mulf %mul3A_629, %concatenate3A_613 : vector<1024x16xf32>
    %slice3A_631 = vector.extract_strided_slice %concatenate3A {offsets = [0, 6], sizes = [1024, 1], strides = [1, 1]} : vector<1024x16xf32> to vector<1024x1xf32>
    %mul3A_632 = vector.broadcast %slice3A_631 : vector<1024x1xf32> to vector<1024x16xf32>
    %mul3A_633 = arith.mulf %mul3A_632, %concatenate3A_613 : vector<1024x16xf32>
    %slice3A_634 = vector.extract_strided_slice %concatenate3A {offsets = [0, 7], sizes = [1024, 1], strides = [1, 1]} : vector<1024x16xf32> to vector<1024x1xf32>
    %mul3A_635 = vector.broadcast %slice3A_634 : vector<1024x1xf32> to vector<1024x16xf32>
    %mul3A_636 = arith.mulf %mul3A_635, %concatenate3A_613 : vector<1024x16xf32>
    %slice3A_637 = vector.extract_strided_slice %concatenate3A {offsets = [0, 8], sizes = [1024, 1], strides = [1, 1]} : vector<1024x16xf32> to vector<1024x1xf32>
    %mul3A_638 = vector.broadcast %slice3A_637 : vector<1024x1xf32> to vector<1024x16xf32>
    %mul3A_639 = arith.mulf %mul3A_638, %concatenate3A_613 : vector<1024x16xf32>
    %slice3A_640 = vector.extract_strided_slice %concatenate3A {offsets = [0, 9], sizes = [1024, 1], strides = [1, 1]} : vector<1024x16xf32> to vector<1024x1xf32>
    %mul3A_641 = vector.broadcast %slice3A_640 : vector<1024x1xf32> to vector<1024x16xf32>
    %mul3A_642 = arith.mulf %mul3A_641, %concatenate3A_613 : vector<1024x16xf32>
    %slice3A_643 = vector.extract_strided_slice %concatenate3A {offsets = [0, 10], sizes = [1024, 1], strides = [1, 1]} : vector<1024x16xf32> to vector<1024x1xf32>
    %mul3A_644 = vector.broadcast %slice3A_643 : vector<1024x1xf32> to vector<1024x16xf32>
    %mul3A_645 = arith.mulf %mul3A_644, %concatenate3A_613 : vector<1024x16xf32>
    %slice3A_646 = vector.extract_strided_slice %concatenate3A {offsets = [0, 11], sizes = [1024, 1], strides = [1, 1]} : vector<1024x16xf32> to vector<1024x1xf32>
    %mul3A_647 = vector.broadcast %slice3A_646 : vector<1024x1xf32> to vector<1024x16xf32>
    %mul3A_648 = arith.mulf %mul3A_647, %concatenate3A_613 : vector<1024x16xf32>
    %slice3A_649 = vector.extract_strided_slice %concatenate3A {offsets = [0, 12], sizes = [1024, 1], strides = [1, 1]} : vector<1024x16xf32> to vector<1024x1xf32>
    %mul3A_650 = vector.broadcast %slice3A_649 : vector<1024x1xf32> to vector<1024x16xf32>
    %mul3A_651 = arith.mulf %mul3A_650, %concatenate3A_613 : vector<1024x16xf32>
    %slice3A_652 = vector.extract_strided_slice %concatenate3A {offsets = [0, 13], sizes = [1024, 1], strides = [1, 1]} : vector<1024x16xf32> to vector<1024x1xf32>
    %mul3A_653 = vector.broadcast %slice3A_652 : vector<1024x1xf32> to vector<1024x16xf32>
    %mul3A_654 = arith.mulf %mul3A_653, %concatenate3A_613 : vector<1024x16xf32>
    %slice3A_655 = vector.extract_strided_slice %concatenate3A {offsets = [0, 14], sizes = [1024, 1], strides = [1, 1]} : vector<1024x16xf32> to vector<1024x1xf32>
    %mul3A_656 = vector.broadcast %slice3A_655 : vector<1024x1xf32> to vector<1024x16xf32>
    %mul3A_657 = arith.mulf %mul3A_656, %concatenate3A_613 : vector<1024x16xf32>
    %slice3A_658 = vector.extract_strided_slice %concatenate3A {offsets = [0, 15], sizes = [1024, 1], strides = [1, 1]} : vector<1024x16xf32> to vector<1024x1xf32>
    %mul3A_659 = vector.broadcast %slice3A_658 : vector<1024x1xf32> to vector<1024x16xf32>
    %mul3A_660 = arith.mulf %mul3A_659, %concatenate3A_613 : vector<1024x16xf32>
    %concatenate3A_661 = tpu.concatenate %mul3A_615, %mul3A_618, %mul3A_621, %mul3A_624, %mul3A_627, %mul3A_630, %mul3A_633, %mul3A_636, %mul3A_639, %mul3A_642, %mul3A_645, %mul3A_648, %mul3A_651, %mul3A_654, %mul3A_657, %mul3A_660 in 1 : vector<1024x16xf32>, vector<1024x16xf32>, vector<1024x16xf32>, vector<1024x16xf32>, vector<1024x16xf32>, vector<1024x16xf32>, vector<1024x16xf32>, vector<1024x16xf32>, vector<1024x16xf32>, vector<1024x16xf32>, vector<1024x16xf32>, vector<1024x16xf32>, vector<1024x16xf32>, vector<1024x16xf32>, vector<1024x16xf32>, vector<1024x16xf32> -> vector<1024x256xf32>
    %reduce_max3A_662 = arith.constant dense<0xFF800000> : vector<1024xf32>
    %reduce_max3A_663 = vector.multi_reduction <maximumf>, %concatenate3A_661, %reduce_max3A_662 [1] : vector<1024x256xf32> to vector<1024xf32>
    %broadcast_in_dim3A_664 = vector.shape_cast %reduce_max3A_663 : vector<1024xf32> to vector<1024x1xf32>
    %ge3A_665 = vector.broadcast %broadcast_in_dim3A_664 : vector<1024x1xf32> to vector<1024x256xf32>
    %ge3A_666 = arith.cmpf oge, %concatenate3A_661, %ge3A_665 : vector<1024x256xf32>
    %jit3A_667 = arith.constant -1.000000e+00 : f32
    %broadcast_in_dim3A_668 = vector.broadcast %jit3A_667 : f32 to vector<1024x256xf32>
    %select_n3A_669 = arith.select %ge3A_666, %sub3A_19, %broadcast_in_dim3A_668 : vector<1024x256xi1>, vector<1024x256xf32>
    %reduce_max3A_670 = arith.constant dense<0xFF800000> : vector<1024xf32>
    %reduce_max3A_671 = vector.multi_reduction <maximumf>, %select_n3A_669, %reduce_max3A_670 [1] : vector<1024x256xf32> to vector<1024xf32>
    %broadcast_in_dim3A_672 = vector.shape_cast %reduce_max3A_671 : vector<1024xf32> to vector<1024x1xf32>
    %sub3A_673 = arith.constant 2.550000e+02 : f32
    %sub3A_674 = vector.broadcast %sub3A_673 : f32 to vector<1024x1xf32>
    %sub3A_675 = arith.subf %sub3A_674, %broadcast_in_dim3A_672 : vector<1024x1xf32>
    %eq3A_676 = vector.broadcast %broadcast_in_dim3A_672 : vector<1024x1xf32> to vector<1024x256xf32>
    %eq3A_677 = arith.cmpf oeq, %select_n3A_669, %eq3A_676 : vector<1024x256xf32>
    %jit3A_678 = arith.constant -1.000000e+30 : f32
    %broadcast_in_dim3A_679 = vector.broadcast %jit3A_678 : f32 to vector<1024x256xf32>
    %select_n3A_680 = arith.select %eq3A_677, %broadcast_in_dim3A_679, %concatenate3A_661 : vector<1024x256xi1>, vector<1024x256xf32>
    %reduce_max3A_681 = arith.constant dense<0xFF800000> : vector<1024xf32>
    %reduce_max3A_682 = vector.multi_reduction <maximumf>, %select_n3A_680, %reduce_max3A_681 [1] : vector<1024x256xf32> to vector<1024xf32>
    %broadcast_in_dim3A_683 = vector.shape_cast %reduce_max3A_682 : vector<1024xf32> to vector<1024x1xf32>
    %ge3A_684 = vector.broadcast %broadcast_in_dim3A_683 : vector<1024x1xf32> to vector<1024x256xf32>
    %ge3A_685 = arith.cmpf oge, %select_n3A_680, %ge3A_684 : vector<1024x256xf32>
    %jit3A_686 = arith.constant -1.000000e+00 : f32
    %broadcast_in_dim3A_687 = vector.broadcast %jit3A_686 : f32 to vector<1024x256xf32>
    %select_n3A_688 = arith.select %ge3A_685, %sub3A_19, %broadcast_in_dim3A_687 : vector<1024x256xi1>, vector<1024x256xf32>
    %reduce_max3A_689 = arith.constant dense<0xFF800000> : vector<1024xf32>
    %reduce_max3A_690 = vector.multi_reduction <maximumf>, %select_n3A_688, %reduce_max3A_689 [1] : vector<1024x256xf32> to vector<1024xf32>
    %broadcast_in_dim3A_691 = vector.shape_cast %reduce_max3A_690 : vector<1024xf32> to vector<1024x1xf32>
    %sub3A_692 = arith.constant 2.550000e+02 : f32
    %sub3A_693 = vector.broadcast %sub3A_692 : f32 to vector<1024x1xf32>
    %sub3A_694 = arith.subf %sub3A_693, %broadcast_in_dim3A_691 : vector<1024x1xf32>
    %eq3A_695 = vector.broadcast %broadcast_in_dim3A_691 : vector<1024x1xf32> to vector<1024x256xf32>
    %eq3A_696 = arith.cmpf oeq, %select_n3A_688, %eq3A_695 : vector<1024x256xf32>
    %jit3A_697 = arith.constant -1.000000e+30 : f32
    %broadcast_in_dim3A_698 = vector.broadcast %jit3A_697 : f32 to vector<1024x256xf32>
    %select_n3A_699 = arith.select %eq3A_696, %broadcast_in_dim3A_698, %select_n3A_680 : vector<1024x256xi1>, vector<1024x256xf32>
    %reduce_max3A_700 = arith.constant dense<0xFF800000> : vector<1024xf32>
    %reduce_max3A_701 = vector.multi_reduction <maximumf>, %select_n3A_699, %reduce_max3A_700 [1] : vector<1024x256xf32> to vector<1024xf32>
    %broadcast_in_dim3A_702 = vector.shape_cast %reduce_max3A_701 : vector<1024xf32> to vector<1024x1xf32>
    %ge3A_703 = vector.broadcast %broadcast_in_dim3A_702 : vector<1024x1xf32> to vector<1024x256xf32>
    %ge3A_704 = arith.cmpf oge, %select_n3A_699, %ge3A_703 : vector<1024x256xf32>
    %jit3A_705 = arith.constant -1.000000e+00 : f32
    %broadcast_in_dim3A_706 = vector.broadcast %jit3A_705 : f32 to vector<1024x256xf32>
    %select_n3A_707 = arith.select %ge3A_704, %sub3A_19, %broadcast_in_dim3A_706 : vector<1024x256xi1>, vector<1024x256xf32>
    %reduce_max3A_708 = arith.constant dense<0xFF800000> : vector<1024xf32>
    %reduce_max3A_709 = vector.multi_reduction <maximumf>, %select_n3A_707, %reduce_max3A_708 [1] : vector<1024x256xf32> to vector<1024xf32>
    %broadcast_in_dim3A_710 = vector.shape_cast %reduce_max3A_709 : vector<1024xf32> to vector<1024x1xf32>
    %sub3A_711 = arith.constant 2.550000e+02 : f32
    %sub3A_712 = vector.broadcast %sub3A_711 : f32 to vector<1024x1xf32>
    %sub3A_713 = arith.subf %sub3A_712, %broadcast_in_dim3A_710 : vector<1024x1xf32>
    %eq3A_714 = vector.broadcast %broadcast_in_dim3A_710 : vector<1024x1xf32> to vector<1024x256xf32>
    %eq3A_715 = arith.cmpf oeq, %select_n3A_707, %eq3A_714 : vector<1024x256xf32>
    %jit3A_716 = arith.constant -1.000000e+30 : f32
    %broadcast_in_dim3A_717 = vector.broadcast %jit3A_716 : f32 to vector<1024x256xf32>
    %select_n3A_718 = arith.select %eq3A_715, %broadcast_in_dim3A_717, %select_n3A_699 : vector<1024x256xi1>, vector<1024x256xf32>
    %reduce_max3A_719 = arith.constant dense<0xFF800000> : vector<1024xf32>
    %reduce_max3A_720 = vector.multi_reduction <maximumf>, %select_n3A_718, %reduce_max3A_719 [1] : vector<1024x256xf32> to vector<1024xf32>
    %broadcast_in_dim3A_721 = vector.shape_cast %reduce_max3A_720 : vector<1024xf32> to vector<1024x1xf32>
    %ge3A_722 = vector.broadcast %broadcast_in_dim3A_721 : vector<1024x1xf32> to vector<1024x256xf32>
    %ge3A_723 = arith.cmpf oge, %select_n3A_718, %ge3A_722 : vector<1024x256xf32>
    %jit3A_724 = arith.constant -1.000000e+00 : f32
    %broadcast_in_dim3A_725 = vector.broadcast %jit3A_724 : f32 to vector<1024x256xf32>
    %select_n3A_726 = arith.select %ge3A_723, %sub3A_19, %broadcast_in_dim3A_725 : vector<1024x256xi1>, vector<1024x256xf32>
    %reduce_max3A_727 = arith.constant dense<0xFF800000> : vector<1024xf32>
    %reduce_max3A_728 = vector.multi_reduction <maximumf>, %select_n3A_726, %reduce_max3A_727 [1] : vector<1024x256xf32> to vector<1024xf32>
    %broadcast_in_dim3A_729 = vector.shape_cast %reduce_max3A_728 : vector<1024xf32> to vector<1024x1xf32>
    %sub3A_730 = arith.constant 2.550000e+02 : f32
    %sub3A_731 = vector.broadcast %sub3A_730 : f32 to vector<1024x1xf32>
    %sub3A_732 = arith.subf %sub3A_731, %broadcast_in_dim3A_729 : vector<1024x1xf32>
    %eq3A_733 = vector.broadcast %broadcast_in_dim3A_729 : vector<1024x1xf32> to vector<1024x256xf32>
    %eq3A_734 = arith.cmpf oeq, %select_n3A_726, %eq3A_733 : vector<1024x256xf32>
    %jit3A_735 = arith.constant -1.000000e+30 : f32
    %broadcast_in_dim3A_736 = vector.broadcast %jit3A_735 : f32 to vector<1024x256xf32>
    %select_n3A_737 = arith.select %eq3A_734, %broadcast_in_dim3A_736, %select_n3A_718 : vector<1024x256xi1>, vector<1024x256xf32>
    %reduce_max3A_738 = arith.constant dense<0xFF800000> : vector<1024xf32>
    %reduce_max3A_739 = vector.multi_reduction <maximumf>, %select_n3A_737, %reduce_max3A_738 [1] : vector<1024x256xf32> to vector<1024xf32>
    %broadcast_in_dim3A_740 = vector.shape_cast %reduce_max3A_739 : vector<1024xf32> to vector<1024x1xf32>
    %ge3A_741 = vector.broadcast %broadcast_in_dim3A_740 : vector<1024x1xf32> to vector<1024x256xf32>
    %ge3A_742 = arith.cmpf oge, %select_n3A_737, %ge3A_741 : vector<1024x256xf32>
    %jit3A_743 = arith.constant -1.000000e+00 : f32
    %broadcast_in_dim3A_744 = vector.broadcast %jit3A_743 : f32 to vector<1024x256xf32>
    %select_n3A_745 = arith.select %ge3A_742, %sub3A_19, %broadcast_in_dim3A_744 : vector<1024x256xi1>, vector<1024x256xf32>
    %reduce_max3A_746 = arith.constant dense<0xFF800000> : vector<1024xf32>
    %reduce_max3A_747 = vector.multi_reduction <maximumf>, %select_n3A_745, %reduce_max3A_746 [1] : vector<1024x256xf32> to vector<1024xf32>
    %broadcast_in_dim3A_748 = vector.shape_cast %reduce_max3A_747 : vector<1024xf32> to vector<1024x1xf32>
    %sub3A_749 = arith.constant 2.550000e+02 : f32
    %sub3A_750 = vector.broadcast %sub3A_749 : f32 to vector<1024x1xf32>
    %sub3A_751 = arith.subf %sub3A_750, %broadcast_in_dim3A_748 : vector<1024x1xf32>
    %eq3A_752 = vector.broadcast %broadcast_in_dim3A_748 : vector<1024x1xf32> to vector<1024x256xf32>
    %eq3A_753 = arith.cmpf oeq, %select_n3A_745, %eq3A_752 : vector<1024x256xf32>
    %jit3A_754 = arith.constant -1.000000e+30 : f32
    %broadcast_in_dim3A_755 = vector.broadcast %jit3A_754 : f32 to vector<1024x256xf32>
    %select_n3A_756 = arith.select %eq3A_753, %broadcast_in_dim3A_755, %select_n3A_737 : vector<1024x256xi1>, vector<1024x256xf32>
    %reduce_max3A_757 = arith.constant dense<0xFF800000> : vector<1024xf32>
    %reduce_max3A_758 = vector.multi_reduction <maximumf>, %select_n3A_756, %reduce_max3A_757 [1] : vector<1024x256xf32> to vector<1024xf32>
    %broadcast_in_dim3A_759 = vector.shape_cast %reduce_max3A_758 : vector<1024xf32> to vector<1024x1xf32>
    %ge3A_760 = vector.broadcast %broadcast_in_dim3A_759 : vector<1024x1xf32> to vector<1024x256xf32>
    %ge3A_761 = arith.cmpf oge, %select_n3A_756, %ge3A_760 : vector<1024x256xf32>
    %jit3A_762 = arith.constant -1.000000e+00 : f32
    %broadcast_in_dim3A_763 = vector.broadcast %jit3A_762 : f32 to vector<1024x256xf32>
    %select_n3A_764 = arith.select %ge3A_761, %sub3A_19, %broadcast_in_dim3A_763 : vector<1024x256xi1>, vector<1024x256xf32>
    %reduce_max3A_765 = arith.constant dense<0xFF800000> : vector<1024xf32>
    %reduce_max3A_766 = vector.multi_reduction <maximumf>, %select_n3A_764, %reduce_max3A_765 [1] : vector<1024x256xf32> to vector<1024xf32>
    %broadcast_in_dim3A_767 = vector.shape_cast %reduce_max3A_766 : vector<1024xf32> to vector<1024x1xf32>
    %sub3A_768 = arith.constant 2.550000e+02 : f32
    %sub3A_769 = vector.broadcast %sub3A_768 : f32 to vector<1024x1xf32>
    %sub3A_770 = arith.subf %sub3A_769, %broadcast_in_dim3A_767 : vector<1024x1xf32>
    %eq3A_771 = vector.broadcast %broadcast_in_dim3A_767 : vector<1024x1xf32> to vector<1024x256xf32>
    %eq3A_772 = arith.cmpf oeq, %select_n3A_764, %eq3A_771 : vector<1024x256xf32>
    %jit3A_773 = arith.constant -1.000000e+30 : f32
    %broadcast_in_dim3A_774 = vector.broadcast %jit3A_773 : f32 to vector<1024x256xf32>
    %select_n3A_775 = arith.select %eq3A_772, %broadcast_in_dim3A_774, %select_n3A_756 : vector<1024x256xi1>, vector<1024x256xf32>
    %reduce_max3A_776 = arith.constant dense<0xFF800000> : vector<1024xf32>
    %reduce_max3A_777 = vector.multi_reduction <maximumf>, %select_n3A_775, %reduce_max3A_776 [1] : vector<1024x256xf32> to vector<1024xf32>
    %broadcast_in_dim3A_778 = vector.shape_cast %reduce_max3A_777 : vector<1024xf32> to vector<1024x1xf32>
    %ge3A_779 = vector.broadcast %broadcast_in_dim3A_778 : vector<1024x1xf32> to vector<1024x256xf32>
    %ge3A_780 = arith.cmpf oge, %select_n3A_775, %ge3A_779 : vector<1024x256xf32>
    %jit3A_781 = arith.constant -1.000000e+00 : f32
    %broadcast_in_dim3A_782 = vector.broadcast %jit3A_781 : f32 to vector<1024x256xf32>
    %select_n3A_783 = arith.select %ge3A_780, %sub3A_19, %broadcast_in_dim3A_782 : vector<1024x256xi1>, vector<1024x256xf32>
    %reduce_max3A_784 = arith.constant dense<0xFF800000> : vector<1024xf32>
    %reduce_max3A_785 = vector.multi_reduction <maximumf>, %select_n3A_783, %reduce_max3A_784 [1] : vector<1024x256xf32> to vector<1024xf32>
    %broadcast_in_dim3A_786 = vector.shape_cast %reduce_max3A_785 : vector<1024xf32> to vector<1024x1xf32>
    %sub3A_787 = arith.constant 2.550000e+02 : f32
    %sub3A_788 = vector.broadcast %sub3A_787 : f32 to vector<1024x1xf32>
    %sub3A_789 = arith.subf %sub3A_788, %broadcast_in_dim3A_786 : vector<1024x1xf32>
    %eq3A_790 = vector.broadcast %broadcast_in_dim3A_786 : vector<1024x1xf32> to vector<1024x256xf32>
    %eq3A_791 = arith.cmpf oeq, %select_n3A_783, %eq3A_790 : vector<1024x256xf32>
    %jit3A_792 = arith.constant -1.000000e+30 : f32
    %broadcast_in_dim3A_793 = vector.broadcast %jit3A_792 : f32 to vector<1024x256xf32>
    %select_n3A_794 = arith.select %eq3A_791, %broadcast_in_dim3A_793, %select_n3A_775 : vector<1024x256xi1>, vector<1024x256xf32>
    %reduce_max3A_795 = arith.constant dense<0xFF800000> : vector<1024xf32>
    %reduce_max3A_796 = vector.multi_reduction <maximumf>, %select_n3A_794, %reduce_max3A_795 [1] : vector<1024x256xf32> to vector<1024xf32>
    %broadcast_in_dim3A_797 = vector.shape_cast %reduce_max3A_796 : vector<1024xf32> to vector<1024x1xf32>
    %ge3A_798 = vector.broadcast %broadcast_in_dim3A_797 : vector<1024x1xf32> to vector<1024x256xf32>
    %ge3A_799 = arith.cmpf oge, %select_n3A_794, %ge3A_798 : vector<1024x256xf32>
    %jit3A_800 = arith.constant -1.000000e+00 : f32
    %broadcast_in_dim3A_801 = vector.broadcast %jit3A_800 : f32 to vector<1024x256xf32>
    %select_n3A_802 = arith.select %ge3A_799, %sub3A_19, %broadcast_in_dim3A_801 : vector<1024x256xi1>, vector<1024x256xf32>
    %reduce_max3A_803 = arith.constant dense<0xFF800000> : vector<1024xf32>
    %reduce_max3A_804 = vector.multi_reduction <maximumf>, %select_n3A_802, %reduce_max3A_803 [1] : vector<1024x256xf32> to vector<1024xf32>
    %broadcast_in_dim3A_805 = vector.shape_cast %reduce_max3A_804 : vector<1024xf32> to vector<1024x1xf32>
    %sub3A_806 = arith.constant 2.550000e+02 : f32
    %sub3A_807 = vector.broadcast %sub3A_806 : f32 to vector<1024x1xf32>
    %sub3A_808 = arith.subf %sub3A_807, %broadcast_in_dim3A_805 : vector<1024x1xf32>
    %eq3A_809 = vector.broadcast %broadcast_in_dim3A_805 : vector<1024x1xf32> to vector<1024x256xf32>
    %eq3A_810 = arith.cmpf oeq, %select_n3A_802, %eq3A_809 : vector<1024x256xf32>
    %jit3A_811 = arith.constant -1.000000e+30 : f32
    %broadcast_in_dim3A_812 = vector.broadcast %jit3A_811 : f32 to vector<1024x256xf32>
    %select_n3A_813 = arith.select %eq3A_810, %broadcast_in_dim3A_812, %select_n3A_794 : vector<1024x256xi1>, vector<1024x256xf32>
    %reduce_max3A_814 = arith.constant dense<0xFF800000> : vector<1024xf32>
    %reduce_max3A_815 = vector.multi_reduction <maximumf>, %select_n3A_813, %reduce_max3A_814 [1] : vector<1024x256xf32> to vector<1024xf32>
    %broadcast_in_dim3A_816 = vector.shape_cast %reduce_max3A_815 : vector<1024xf32> to vector<1024x1xf32>
    %ge3A_817 = vector.broadcast %broadcast_in_dim3A_816 : vector<1024x1xf32> to vector<1024x256xf32>
    %ge3A_818 = arith.cmpf oge, %select_n3A_813, %ge3A_817 : vector<1024x256xf32>
    %jit3A_819 = arith.constant -1.000000e+00 : f32
    %broadcast_in_dim3A_820 = vector.broadcast %jit3A_819 : f32 to vector<1024x256xf32>
    %select_n3A_821 = arith.select %ge3A_818, %sub3A_19, %broadcast_in_dim3A_820 : vector<1024x256xi1>, vector<1024x256xf32>
    %reduce_max3A_822 = arith.constant dense<0xFF800000> : vector<1024xf32>
    %reduce_max3A_823 = vector.multi_reduction <maximumf>, %select_n3A_821, %reduce_max3A_822 [1] : vector<1024x256xf32> to vector<1024xf32>
    %broadcast_in_dim3A_824 = vector.shape_cast %reduce_max3A_823 : vector<1024xf32> to vector<1024x1xf32>
    %sub3A_825 = arith.constant 2.550000e+02 : f32
    %sub3A_826 = vector.broadcast %sub3A_825 : f32 to vector<1024x1xf32>
    %sub3A_827 = arith.subf %sub3A_826, %broadcast_in_dim3A_824 : vector<1024x1xf32>
    %eq3A_828 = vector.broadcast %broadcast_in_dim3A_824 : vector<1024x1xf32> to vector<1024x256xf32>
    %eq3A_829 = arith.cmpf oeq, %select_n3A_821, %eq3A_828 : vector<1024x256xf32>
    %jit3A_830 = arith.constant -1.000000e+30 : f32
    %broadcast_in_dim3A_831 = vector.broadcast %jit3A_830 : f32 to vector<1024x256xf32>
    %select_n3A_832 = arith.select %eq3A_829, %broadcast_in_dim3A_831, %select_n3A_813 : vector<1024x256xi1>, vector<1024x256xf32>
    %reduce_max3A_833 = arith.constant dense<0xFF800000> : vector<1024xf32>
    %reduce_max3A_834 = vector.multi_reduction <maximumf>, %select_n3A_832, %reduce_max3A_833 [1] : vector<1024x256xf32> to vector<1024xf32>
    %broadcast_in_dim3A_835 = vector.shape_cast %reduce_max3A_834 : vector<1024xf32> to vector<1024x1xf32>
    %ge3A_836 = vector.broadcast %broadcast_in_dim3A_835 : vector<1024x1xf32> to vector<1024x256xf32>
    %ge3A_837 = arith.cmpf oge, %select_n3A_832, %ge3A_836 : vector<1024x256xf32>
    %jit3A_838 = arith.constant -1.000000e+00 : f32
    %broadcast_in_dim3A_839 = vector.broadcast %jit3A_838 : f32 to vector<1024x256xf32>
    %select_n3A_840 = arith.select %ge3A_837, %sub3A_19, %broadcast_in_dim3A_839 : vector<1024x256xi1>, vector<1024x256xf32>
    %reduce_max3A_841 = arith.constant dense<0xFF800000> : vector<1024xf32>
    %reduce_max3A_842 = vector.multi_reduction <maximumf>, %select_n3A_840, %reduce_max3A_841 [1] : vector<1024x256xf32> to vector<1024xf32>
    %broadcast_in_dim3A_843 = vector.shape_cast %reduce_max3A_842 : vector<1024xf32> to vector<1024x1xf32>
    %sub3A_844 = arith.constant 2.550000e+02 : f32
    %sub3A_845 = vector.broadcast %sub3A_844 : f32 to vector<1024x1xf32>
    %sub3A_846 = arith.subf %sub3A_845, %broadcast_in_dim3A_843 : vector<1024x1xf32>
    %eq3A_847 = vector.broadcast %broadcast_in_dim3A_843 : vector<1024x1xf32> to vector<1024x256xf32>
    %eq3A_848 = arith.cmpf oeq, %select_n3A_840, %eq3A_847 : vector<1024x256xf32>
    %jit3A_849 = arith.constant -1.000000e+30 : f32
    %broadcast_in_dim3A_850 = vector.broadcast %jit3A_849 : f32 to vector<1024x256xf32>
    %select_n3A_851 = arith.select %eq3A_848, %broadcast_in_dim3A_850, %select_n3A_832 : vector<1024x256xi1>, vector<1024x256xf32>
    %reduce_max3A_852 = arith.constant dense<0xFF800000> : vector<1024xf32>
    %reduce_max3A_853 = vector.multi_reduction <maximumf>, %select_n3A_851, %reduce_max3A_852 [1] : vector<1024x256xf32> to vector<1024xf32>
    %broadcast_in_dim3A_854 = vector.shape_cast %reduce_max3A_853 : vector<1024xf32> to vector<1024x1xf32>
    %ge3A_855 = vector.broadcast %broadcast_in_dim3A_854 : vector<1024x1xf32> to vector<1024x256xf32>
    %ge3A_856 = arith.cmpf oge, %select_n3A_851, %ge3A_855 : vector<1024x256xf32>
    %jit3A_857 = arith.constant -1.000000e+00 : f32
    %broadcast_in_dim3A_858 = vector.broadcast %jit3A_857 : f32 to vector<1024x256xf32>
    %select_n3A_859 = arith.select %ge3A_856, %sub3A_19, %broadcast_in_dim3A_858 : vector<1024x256xi1>, vector<1024x256xf32>
    %reduce_max3A_860 = arith.constant dense<0xFF800000> : vector<1024xf32>
    %reduce_max3A_861 = vector.multi_reduction <maximumf>, %select_n3A_859, %reduce_max3A_860 [1] : vector<1024x256xf32> to vector<1024xf32>
    %broadcast_in_dim3A_862 = vector.shape_cast %reduce_max3A_861 : vector<1024xf32> to vector<1024x1xf32>
    %sub3A_863 = arith.constant 2.550000e+02 : f32
    %sub3A_864 = vector.broadcast %sub3A_863 : f32 to vector<1024x1xf32>
    %sub3A_865 = arith.subf %sub3A_864, %broadcast_in_dim3A_862 : vector<1024x1xf32>
    %eq3A_866 = vector.broadcast %broadcast_in_dim3A_862 : vector<1024x1xf32> to vector<1024x256xf32>
    %eq3A_867 = arith.cmpf oeq, %select_n3A_859, %eq3A_866 : vector<1024x256xf32>
    %jit3A_868 = arith.constant -1.000000e+30 : f32
    %broadcast_in_dim3A_869 = vector.broadcast %jit3A_868 : f32 to vector<1024x256xf32>
    %select_n3A_870 = arith.select %eq3A_867, %broadcast_in_dim3A_869, %select_n3A_851 : vector<1024x256xi1>, vector<1024x256xf32>
    %reduce_max3A_871 = arith.constant dense<0xFF800000> : vector<1024xf32>
    %reduce_max3A_872 = vector.multi_reduction <maximumf>, %select_n3A_870, %reduce_max3A_871 [1] : vector<1024x256xf32> to vector<1024xf32>
    %broadcast_in_dim3A_873 = vector.shape_cast %reduce_max3A_872 : vector<1024xf32> to vector<1024x1xf32>
    %ge3A_874 = vector.broadcast %broadcast_in_dim3A_873 : vector<1024x1xf32> to vector<1024x256xf32>
    %ge3A_875 = arith.cmpf oge, %select_n3A_870, %ge3A_874 : vector<1024x256xf32>
    %jit3A_876 = arith.constant -1.000000e+00 : f32
    %broadcast_in_dim3A_877 = vector.broadcast %jit3A_876 : f32 to vector<1024x256xf32>
    %select_n3A_878 = arith.select %ge3A_875, %sub3A_19, %broadcast_in_dim3A_877 : vector<1024x256xi1>, vector<1024x256xf32>
    %reduce_max3A_879 = arith.constant dense<0xFF800000> : vector<1024xf32>
    %reduce_max3A_880 = vector.multi_reduction <maximumf>, %select_n3A_878, %reduce_max3A_879 [1] : vector<1024x256xf32> to vector<1024xf32>
    %broadcast_in_dim3A_881 = vector.shape_cast %reduce_max3A_880 : vector<1024xf32> to vector<1024x1xf32>
    %sub3A_882 = arith.constant 2.550000e+02 : f32
    %sub3A_883 = vector.broadcast %sub3A_882 : f32 to vector<1024x1xf32>
    %sub3A_884 = arith.subf %sub3A_883, %broadcast_in_dim3A_881 : vector<1024x1xf32>
    %eq3A_885 = vector.broadcast %broadcast_in_dim3A_881 : vector<1024x1xf32> to vector<1024x256xf32>
    %eq3A_886 = arith.cmpf oeq, %select_n3A_878, %eq3A_885 : vector<1024x256xf32>
    %jit3A_887 = arith.constant -1.000000e+30 : f32
    %broadcast_in_dim3A_888 = vector.broadcast %jit3A_887 : f32 to vector<1024x256xf32>
    %select_n3A_889 = arith.select %eq3A_886, %broadcast_in_dim3A_888, %select_n3A_870 : vector<1024x256xi1>, vector<1024x256xf32>
    %reduce_max3A_890 = arith.constant dense<0xFF800000> : vector<1024xf32>
    %reduce_max3A_891 = vector.multi_reduction <maximumf>, %select_n3A_889, %reduce_max3A_890 [1] : vector<1024x256xf32> to vector<1024xf32>
    %broadcast_in_dim3A_892 = vector.shape_cast %reduce_max3A_891 : vector<1024xf32> to vector<1024x1xf32>
    %ge3A_893 = vector.broadcast %broadcast_in_dim3A_892 : vector<1024x1xf32> to vector<1024x256xf32>
    %ge3A_894 = arith.cmpf oge, %select_n3A_889, %ge3A_893 : vector<1024x256xf32>
    %jit3A_895 = arith.constant -1.000000e+00 : f32
    %broadcast_in_dim3A_896 = vector.broadcast %jit3A_895 : f32 to vector<1024x256xf32>
    %select_n3A_897 = arith.select %ge3A_894, %sub3A_19, %broadcast_in_dim3A_896 : vector<1024x256xi1>, vector<1024x256xf32>
    %reduce_max3A_898 = arith.constant dense<0xFF800000> : vector<1024xf32>
    %reduce_max3A_899 = vector.multi_reduction <maximumf>, %select_n3A_897, %reduce_max3A_898 [1] : vector<1024x256xf32> to vector<1024xf32>
    %broadcast_in_dim3A_900 = vector.shape_cast %reduce_max3A_899 : vector<1024xf32> to vector<1024x1xf32>
    %sub3A_901 = arith.constant 2.550000e+02 : f32
    %sub3A_902 = vector.broadcast %sub3A_901 : f32 to vector<1024x1xf32>
    %sub3A_903 = arith.subf %sub3A_902, %broadcast_in_dim3A_900 : vector<1024x1xf32>
    %eq3A_904 = vector.broadcast %broadcast_in_dim3A_900 : vector<1024x1xf32> to vector<1024x256xf32>
    %eq3A_905 = arith.cmpf oeq, %select_n3A_897, %eq3A_904 : vector<1024x256xf32>
    %jit3A_906 = arith.constant -1.000000e+30 : f32
    %broadcast_in_dim3A_907 = vector.broadcast %jit3A_906 : f32 to vector<1024x256xf32>
    %select_n3A_908 = arith.select %eq3A_905, %broadcast_in_dim3A_907, %select_n3A_889 : vector<1024x256xi1>, vector<1024x256xf32>
    %reduce_max3A_909 = arith.constant dense<0xFF800000> : vector<1024xf32>
    %reduce_max3A_910 = vector.multi_reduction <maximumf>, %select_n3A_908, %reduce_max3A_909 [1] : vector<1024x256xf32> to vector<1024xf32>
    %broadcast_in_dim3A_911 = vector.shape_cast %reduce_max3A_910 : vector<1024xf32> to vector<1024x1xf32>
    %ge3A_912 = vector.broadcast %broadcast_in_dim3A_911 : vector<1024x1xf32> to vector<1024x256xf32>
    %ge3A_913 = arith.cmpf oge, %select_n3A_908, %ge3A_912 : vector<1024x256xf32>
    %jit3A_914 = arith.constant -1.000000e+00 : f32
    %broadcast_in_dim3A_915 = vector.broadcast %jit3A_914 : f32 to vector<1024x256xf32>
    %select_n3A_916 = arith.select %ge3A_913, %sub3A_19, %broadcast_in_dim3A_915 : vector<1024x256xi1>, vector<1024x256xf32>
    %reduce_max3A_917 = arith.constant dense<0xFF800000> : vector<1024xf32>
    %reduce_max3A_918 = vector.multi_reduction <maximumf>, %select_n3A_916, %reduce_max3A_917 [1] : vector<1024x256xf32> to vector<1024xf32>
    %broadcast_in_dim3A_919 = vector.shape_cast %reduce_max3A_918 : vector<1024xf32> to vector<1024x1xf32>
    %sub3A_920 = arith.constant 2.550000e+02 : f32
    %sub3A_921 = vector.broadcast %sub3A_920 : f32 to vector<1024x1xf32>
    %sub3A_922 = arith.subf %sub3A_921, %broadcast_in_dim3A_919 : vector<1024x1xf32>
    %eq3A_923 = vector.broadcast %broadcast_in_dim3A_919 : vector<1024x1xf32> to vector<1024x256xf32>
    %eq3A_924 = arith.cmpf oeq, %select_n3A_916, %eq3A_923 : vector<1024x256xf32>
    %jit3A_925 = arith.constant -1.000000e+30 : f32
    %broadcast_in_dim3A_926 = vector.broadcast %jit3A_925 : f32 to vector<1024x256xf32>
    %select_n3A_927 = arith.select %eq3A_924, %broadcast_in_dim3A_926, %select_n3A_908 : vector<1024x256xi1>, vector<1024x256xf32>
    %reduce_max3A_928 = arith.constant dense<0xFF800000> : vector<1024xf32>
    %reduce_max3A_929 = vector.multi_reduction <maximumf>, %select_n3A_927, %reduce_max3A_928 [1] : vector<1024x256xf32> to vector<1024xf32>
    %broadcast_in_dim3A_930 = vector.shape_cast %reduce_max3A_929 : vector<1024xf32> to vector<1024x1xf32>
    %ge3A_931 = vector.broadcast %broadcast_in_dim3A_930 : vector<1024x1xf32> to vector<1024x256xf32>
    %ge3A_932 = arith.cmpf oge, %select_n3A_927, %ge3A_931 : vector<1024x256xf32>
    %jit3A_933 = arith.constant -1.000000e+00 : f32
    %broadcast_in_dim3A_934 = vector.broadcast %jit3A_933 : f32 to vector<1024x256xf32>
    %select_n3A_935 = arith.select %ge3A_932, %sub3A_19, %broadcast_in_dim3A_934 : vector<1024x256xi1>, vector<1024x256xf32>
    %reduce_max3A_936 = arith.constant dense<0xFF800000> : vector<1024xf32>
    %reduce_max3A_937 = vector.multi_reduction <maximumf>, %select_n3A_935, %reduce_max3A_936 [1] : vector<1024x256xf32> to vector<1024xf32>
    %broadcast_in_dim3A_938 = vector.shape_cast %reduce_max3A_937 : vector<1024xf32> to vector<1024x1xf32>
    %sub3A_939 = arith.constant 2.550000e+02 : f32
    %sub3A_940 = vector.broadcast %sub3A_939 : f32 to vector<1024x1xf32>
    %sub3A_941 = arith.subf %sub3A_940, %broadcast_in_dim3A_938 : vector<1024x1xf32>
    %eq3A_942 = vector.broadcast %broadcast_in_dim3A_938 : vector<1024x1xf32> to vector<1024x256xf32>
    %eq3A_943 = arith.cmpf oeq, %select_n3A_935, %eq3A_942 : vector<1024x256xf32>
    %jit3A_944 = arith.constant -1.000000e+30 : f32
    %broadcast_in_dim3A_945 = vector.broadcast %jit3A_944 : f32 to vector<1024x256xf32>
    %select_n3A_946 = arith.select %eq3A_943, %broadcast_in_dim3A_945, %select_n3A_927 : vector<1024x256xi1>, vector<1024x256xf32>
    %reduce_max3A_947 = arith.constant dense<0xFF800000> : vector<1024xf32>
    %reduce_max3A_948 = vector.multi_reduction <maximumf>, %select_n3A_946, %reduce_max3A_947 [1] : vector<1024x256xf32> to vector<1024xf32>
    %broadcast_in_dim3A_949 = vector.shape_cast %reduce_max3A_948 : vector<1024xf32> to vector<1024x1xf32>
    %ge3A_950 = vector.broadcast %broadcast_in_dim3A_949 : vector<1024x1xf32> to vector<1024x256xf32>
    %ge3A_951 = arith.cmpf oge, %select_n3A_946, %ge3A_950 : vector<1024x256xf32>
    %jit3A_952 = arith.constant -1.000000e+00 : f32
    %broadcast_in_dim3A_953 = vector.broadcast %jit3A_952 : f32 to vector<1024x256xf32>
    %select_n3A_954 = arith.select %ge3A_951, %sub3A_19, %broadcast_in_dim3A_953 : vector<1024x256xi1>, vector<1024x256xf32>
    %reduce_max3A_955 = arith.constant dense<0xFF800000> : vector<1024xf32>
    %reduce_max3A_956 = vector.multi_reduction <maximumf>, %select_n3A_954, %reduce_max3A_955 [1] : vector<1024x256xf32> to vector<1024xf32>
    %broadcast_in_dim3A_957 = vector.shape_cast %reduce_max3A_956 : vector<1024xf32> to vector<1024x1xf32>
    %sub3A_958 = arith.constant 2.550000e+02 : f32
    %sub3A_959 = vector.broadcast %sub3A_958 : f32 to vector<1024x1xf32>
    %sub3A_960 = arith.subf %sub3A_959, %broadcast_in_dim3A_957 : vector<1024x1xf32>
    %concatenate3A_961 = tpu.concatenate %broadcast_in_dim3A_664, %broadcast_in_dim3A_683, %broadcast_in_dim3A_702, %broadcast_in_dim3A_721, %broadcast_in_dim3A_740, %broadcast_in_dim3A_759, %broadcast_in_dim3A_778, %broadcast_in_dim3A_797, %broadcast_in_dim3A_816, %broadcast_in_dim3A_835, %broadcast_in_dim3A_854, %broadcast_in_dim3A_873, %broadcast_in_dim3A_892, %broadcast_in_dim3A_911, %broadcast_in_dim3A_930, %broadcast_in_dim3A_949 in 1 : vector<1024x1xf32>, vector<1024x1xf32>, vector<1024x1xf32>, vector<1024x1xf32>, vector<1024x1xf32>, vector<1024x1xf32>, vector<1024x1xf32>, vector<1024x1xf32>, vector<1024x1xf32>, vector<1024x1xf32>, vector<1024x1xf32>, vector<1024x1xf32>, vector<1024x1xf32>, vector<1024x1xf32>, vector<1024x1xf32>, vector<1024x1xf32> -> vector<1024x16xf32>
    %concatenate3A_962 = tpu.concatenate %sub3A_675, %sub3A_694, %sub3A_713, %sub3A_732, %sub3A_751, %sub3A_770, %sub3A_789, %sub3A_808, %sub3A_827, %sub3A_846, %sub3A_865, %sub3A_884, %sub3A_903, %sub3A_922, %sub3A_941, %sub3A_960 in 1 : vector<1024x1xf32>, vector<1024x1xf32>, vector<1024x1xf32>, vector<1024x1xf32>, vector<1024x1xf32>, vector<1024x1xf32>, vector<1024x1xf32>, vector<1024x1xf32>, vector<1024x1xf32>, vector<1024x1xf32>, vector<1024x1xf32>, vector<1024x1xf32>, vector<1024x1xf32>, vector<1024x1xf32>, vector<1024x1xf32>, vector<1024x1xf32> -> vector<1024x16xf32>
    %mul3A_963 = arith.constant 6.250000e-02 : f32
    %mul3A_964 = vector.broadcast %mul3A_963 : f32 to vector<1024x16xf32>
    %mul3A_965 = arith.mulf %concatenate3A_962, %mul3A_964 : vector<1024x16xf32>
    %floor3A = math.floor %mul3A_965 : vector<1024x16xf32>
    %mul3A_966 = arith.constant 1.600000e+01 : f32
    %mul3A_967 = vector.broadcast %mul3A_966 : f32 to vector<1024x16xf32>
    %mul3A_968 = arith.mulf %floor3A, %mul3A_967 : vector<1024x16xf32>
    %sub3A_969 = arith.subf %concatenate3A_962, %mul3A_968 : vector<1024x16xf32>
    %broadcast_in_dim3A_970 = arith.constant 0.000000e+00 : f32
    %broadcast_in_dim3A_971 = vector.broadcast %broadcast_in_dim3A_970 : f32 to vector<1024x16xf32>
    %broadcast_in_dim3A_972 = arith.constant 0.000000e+00 : f32
    %broadcast_in_dim3A_973 = vector.broadcast %broadcast_in_dim3A_972 : f32 to vector<1024x16xf32>
    %eq3A_974 = arith.constant 0.000000e+00 : f32
    %eq3A_975 = vector.broadcast %eq3A_974 : f32 to vector<1024x16xf32>
    %eq3A_976 = arith.cmpf oeq, %floor3A, %eq3A_975 : vector<1024x16xf32>
    %slice3A_977 = vector.extract_strided_slice %concatenate3A_313 {offsets = [0, 0], sizes = [1024, 1], strides = [1, 1]} : vector<1024x16xf32> to vector<1024x1xf32>
    %jit3A_978 = arith.constant 0.000000e+00 : f32
    %broadcast_in_dim3A_979 = vector.shape_cast %slice3A_977 : vector<1024x1xf32> to vector<1024x1xf32>
    %broadcast_in_dim3A_980 = vector.broadcast %broadcast_in_dim3A_979 : vector<1024x1xf32> to vector<1024x16xf32>
    %broadcast_in_dim3A_981 = vector.broadcast %jit3A_978 : f32 to vector<1024x16xf32>
    %select_n3A_982 = arith.select %eq3A_976, %broadcast_in_dim3A_980, %broadcast_in_dim3A_981 : vector<1024x16xi1>, vector<1024x16xf32>
    %add3A = arith.addf %broadcast_in_dim3A_971, %select_n3A_982 : vector<1024x16xf32>
    %eq3A_983 = arith.constant 0.000000e+00 : f32
    %eq3A_984 = vector.broadcast %eq3A_983 : f32 to vector<1024x16xf32>
    %eq3A_985 = arith.cmpf oeq, %sub3A_969, %eq3A_984 : vector<1024x16xf32>
    %slice3A_986 = vector.extract_strided_slice %concatenate3A_614 {offsets = [0, 0], sizes = [1024, 1], strides = [1, 1]} : vector<1024x16xf32> to vector<1024x1xf32>
    %jit3A_987 = arith.constant 0.000000e+00 : f32
    %broadcast_in_dim3A_988 = vector.shape_cast %slice3A_986 : vector<1024x1xf32> to vector<1024x1xf32>
    %broadcast_in_dim3A_989 = vector.broadcast %broadcast_in_dim3A_988 : vector<1024x1xf32> to vector<1024x16xf32>
    %broadcast_in_dim3A_990 = vector.broadcast %jit3A_987 : f32 to vector<1024x16xf32>
    %select_n3A_991 = arith.select %eq3A_985, %broadcast_in_dim3A_989, %broadcast_in_dim3A_990 : vector<1024x16xi1>, vector<1024x16xf32>
    %add3A_992 = arith.addf %broadcast_in_dim3A_973, %select_n3A_991 : vector<1024x16xf32>
    %eq3A_993 = arith.constant 1.000000e+00 : f32
    %eq3A_994 = vector.broadcast %eq3A_993 : f32 to vector<1024x16xf32>
    %eq3A_995 = arith.cmpf oeq, %floor3A, %eq3A_994 : vector<1024x16xf32>
    %slice3A_996 = vector.extract_strided_slice %concatenate3A_313 {offsets = [0, 1], sizes = [1024, 1], strides = [1, 1]} : vector<1024x16xf32> to vector<1024x1xf32>
    %jit3A_997 = arith.constant 0.000000e+00 : f32
    %broadcast_in_dim3A_998 = vector.shape_cast %slice3A_996 : vector<1024x1xf32> to vector<1024x1xf32>
    %broadcast_in_dim3A_999 = vector.broadcast %broadcast_in_dim3A_998 : vector<1024x1xf32> to vector<1024x16xf32>
    %broadcast_in_dim3A_1000 = vector.broadcast %jit3A_997 : f32 to vector<1024x16xf32>
    %select_n3A_1001 = arith.select %eq3A_995, %broadcast_in_dim3A_999, %broadcast_in_dim3A_1000 : vector<1024x16xi1>, vector<1024x16xf32>
    %add3A_1002 = arith.addf %add3A, %select_n3A_1001 : vector<1024x16xf32>
    %eq3A_1003 = arith.constant 1.000000e+00 : f32
    %eq3A_1004 = vector.broadcast %eq3A_1003 : f32 to vector<1024x16xf32>
    %eq3A_1005 = arith.cmpf oeq, %sub3A_969, %eq3A_1004 : vector<1024x16xf32>
    %slice3A_1006 = vector.extract_strided_slice %concatenate3A_614 {offsets = [0, 1], sizes = [1024, 1], strides = [1, 1]} : vector<1024x16xf32> to vector<1024x1xf32>
    %jit3A_1007 = arith.constant 0.000000e+00 : f32
    %broadcast_in_dim3A_1008 = vector.shape_cast %slice3A_1006 : vector<1024x1xf32> to vector<1024x1xf32>
    %broadcast_in_dim3A_1009 = vector.broadcast %broadcast_in_dim3A_1008 : vector<1024x1xf32> to vector<1024x16xf32>
    %broadcast_in_dim3A_1010 = vector.broadcast %jit3A_1007 : f32 to vector<1024x16xf32>
    %select_n3A_1011 = arith.select %eq3A_1005, %broadcast_in_dim3A_1009, %broadcast_in_dim3A_1010 : vector<1024x16xi1>, vector<1024x16xf32>
    %add3A_1012 = arith.addf %add3A_992, %select_n3A_1011 : vector<1024x16xf32>
    %eq3A_1013 = arith.constant 2.000000e+00 : f32
    %eq3A_1014 = vector.broadcast %eq3A_1013 : f32 to vector<1024x16xf32>
    %eq3A_1015 = arith.cmpf oeq, %floor3A, %eq3A_1014 : vector<1024x16xf32>
    %slice3A_1016 = vector.extract_strided_slice %concatenate3A_313 {offsets = [0, 2], sizes = [1024, 1], strides = [1, 1]} : vector<1024x16xf32> to vector<1024x1xf32>
    %jit3A_1017 = arith.constant 0.000000e+00 : f32
    %broadcast_in_dim3A_1018 = vector.shape_cast %slice3A_1016 : vector<1024x1xf32> to vector<1024x1xf32>
    %broadcast_in_dim3A_1019 = vector.broadcast %broadcast_in_dim3A_1018 : vector<1024x1xf32> to vector<1024x16xf32>
    %broadcast_in_dim3A_1020 = vector.broadcast %jit3A_1017 : f32 to vector<1024x16xf32>
    %select_n3A_1021 = arith.select %eq3A_1015, %broadcast_in_dim3A_1019, %broadcast_in_dim3A_1020 : vector<1024x16xi1>, vector<1024x16xf32>
    %add3A_1022 = arith.addf %add3A_1002, %select_n3A_1021 : vector<1024x16xf32>
    %eq3A_1023 = arith.constant 2.000000e+00 : f32
    %eq3A_1024 = vector.broadcast %eq3A_1023 : f32 to vector<1024x16xf32>
    %eq3A_1025 = arith.cmpf oeq, %sub3A_969, %eq3A_1024 : vector<1024x16xf32>
    %slice3A_1026 = vector.extract_strided_slice %concatenate3A_614 {offsets = [0, 2], sizes = [1024, 1], strides = [1, 1]} : vector<1024x16xf32> to vector<1024x1xf32>
    %jit3A_1027 = arith.constant 0.000000e+00 : f32
    %broadcast_in_dim3A_1028 = vector.shape_cast %slice3A_1026 : vector<1024x1xf32> to vector<1024x1xf32>
    %broadcast_in_dim3A_1029 = vector.broadcast %broadcast_in_dim3A_1028 : vector<1024x1xf32> to vector<1024x16xf32>
    %broadcast_in_dim3A_1030 = vector.broadcast %jit3A_1027 : f32 to vector<1024x16xf32>
    %select_n3A_1031 = arith.select %eq3A_1025, %broadcast_in_dim3A_1029, %broadcast_in_dim3A_1030 : vector<1024x16xi1>, vector<1024x16xf32>
    %add3A_1032 = arith.addf %add3A_1012, %select_n3A_1031 : vector<1024x16xf32>
    %eq3A_1033 = arith.constant 3.000000e+00 : f32
    %eq3A_1034 = vector.broadcast %eq3A_1033 : f32 to vector<1024x16xf32>
    %eq3A_1035 = arith.cmpf oeq, %floor3A, %eq3A_1034 : vector<1024x16xf32>
    %slice3A_1036 = vector.extract_strided_slice %concatenate3A_313 {offsets = [0, 3], sizes = [1024, 1], strides = [1, 1]} : vector<1024x16xf32> to vector<1024x1xf32>
    %jit3A_1037 = arith.constant 0.000000e+00 : f32
    %broadcast_in_dim3A_1038 = vector.shape_cast %slice3A_1036 : vector<1024x1xf32> to vector<1024x1xf32>
    %broadcast_in_dim3A_1039 = vector.broadcast %broadcast_in_dim3A_1038 : vector<1024x1xf32> to vector<1024x16xf32>
    %broadcast_in_dim3A_1040 = vector.broadcast %jit3A_1037 : f32 to vector<1024x16xf32>
    %select_n3A_1041 = arith.select %eq3A_1035, %broadcast_in_dim3A_1039, %broadcast_in_dim3A_1040 : vector<1024x16xi1>, vector<1024x16xf32>
    %add3A_1042 = arith.addf %add3A_1022, %select_n3A_1041 : vector<1024x16xf32>
    %eq3A_1043 = arith.constant 3.000000e+00 : f32
    %eq3A_1044 = vector.broadcast %eq3A_1043 : f32 to vector<1024x16xf32>
    %eq3A_1045 = arith.cmpf oeq, %sub3A_969, %eq3A_1044 : vector<1024x16xf32>
    %slice3A_1046 = vector.extract_strided_slice %concatenate3A_614 {offsets = [0, 3], sizes = [1024, 1], strides = [1, 1]} : vector<1024x16xf32> to vector<1024x1xf32>
    %jit3A_1047 = arith.constant 0.000000e+00 : f32
    %broadcast_in_dim3A_1048 = vector.shape_cast %slice3A_1046 : vector<1024x1xf32> to vector<1024x1xf32>
    %broadcast_in_dim3A_1049 = vector.broadcast %broadcast_in_dim3A_1048 : vector<1024x1xf32> to vector<1024x16xf32>
    %broadcast_in_dim3A_1050 = vector.broadcast %jit3A_1047 : f32 to vector<1024x16xf32>
    %select_n3A_1051 = arith.select %eq3A_1045, %broadcast_in_dim3A_1049, %broadcast_in_dim3A_1050 : vector<1024x16xi1>, vector<1024x16xf32>
    %add3A_1052 = arith.addf %add3A_1032, %select_n3A_1051 : vector<1024x16xf32>
    %eq3A_1053 = arith.constant 4.000000e+00 : f32
    %eq3A_1054 = vector.broadcast %eq3A_1053 : f32 to vector<1024x16xf32>
    %eq3A_1055 = arith.cmpf oeq, %floor3A, %eq3A_1054 : vector<1024x16xf32>
    %slice3A_1056 = vector.extract_strided_slice %concatenate3A_313 {offsets = [0, 4], sizes = [1024, 1], strides = [1, 1]} : vector<1024x16xf32> to vector<1024x1xf32>
    %jit3A_1057 = arith.constant 0.000000e+00 : f32
    %broadcast_in_dim3A_1058 = vector.shape_cast %slice3A_1056 : vector<1024x1xf32> to vector<1024x1xf32>
    %broadcast_in_dim3A_1059 = vector.broadcast %broadcast_in_dim3A_1058 : vector<1024x1xf32> to vector<1024x16xf32>
    %broadcast_in_dim3A_1060 = vector.broadcast %jit3A_1057 : f32 to vector<1024x16xf32>
    %select_n3A_1061 = arith.select %eq3A_1055, %broadcast_in_dim3A_1059, %broadcast_in_dim3A_1060 : vector<1024x16xi1>, vector<1024x16xf32>
    %add3A_1062 = arith.addf %add3A_1042, %select_n3A_1061 : vector<1024x16xf32>
    %eq3A_1063 = arith.constant 4.000000e+00 : f32
    %eq3A_1064 = vector.broadcast %eq3A_1063 : f32 to vector<1024x16xf32>
    %eq3A_1065 = arith.cmpf oeq, %sub3A_969, %eq3A_1064 : vector<1024x16xf32>
    %slice3A_1066 = vector.extract_strided_slice %concatenate3A_614 {offsets = [0, 4], sizes = [1024, 1], strides = [1, 1]} : vector<1024x16xf32> to vector<1024x1xf32>
    %jit3A_1067 = arith.constant 0.000000e+00 : f32
    %broadcast_in_dim3A_1068 = vector.shape_cast %slice3A_1066 : vector<1024x1xf32> to vector<1024x1xf32>
    %broadcast_in_dim3A_1069 = vector.broadcast %broadcast_in_dim3A_1068 : vector<1024x1xf32> to vector<1024x16xf32>
    %broadcast_in_dim3A_1070 = vector.broadcast %jit3A_1067 : f32 to vector<1024x16xf32>
    %select_n3A_1071 = arith.select %eq3A_1065, %broadcast_in_dim3A_1069, %broadcast_in_dim3A_1070 : vector<1024x16xi1>, vector<1024x16xf32>
    %add3A_1072 = arith.addf %add3A_1052, %select_n3A_1071 : vector<1024x16xf32>
    %eq3A_1073 = arith.constant 5.000000e+00 : f32
    %eq3A_1074 = vector.broadcast %eq3A_1073 : f32 to vector<1024x16xf32>
    %eq3A_1075 = arith.cmpf oeq, %floor3A, %eq3A_1074 : vector<1024x16xf32>
    %slice3A_1076 = vector.extract_strided_slice %concatenate3A_313 {offsets = [0, 5], sizes = [1024, 1], strides = [1, 1]} : vector<1024x16xf32> to vector<1024x1xf32>
    %jit3A_1077 = arith.constant 0.000000e+00 : f32
    %broadcast_in_dim3A_1078 = vector.shape_cast %slice3A_1076 : vector<1024x1xf32> to vector<1024x1xf32>
    %broadcast_in_dim3A_1079 = vector.broadcast %broadcast_in_dim3A_1078 : vector<1024x1xf32> to vector<1024x16xf32>
    %broadcast_in_dim3A_1080 = vector.broadcast %jit3A_1077 : f32 to vector<1024x16xf32>
    %select_n3A_1081 = arith.select %eq3A_1075, %broadcast_in_dim3A_1079, %broadcast_in_dim3A_1080 : vector<1024x16xi1>, vector<1024x16xf32>
    %add3A_1082 = arith.addf %add3A_1062, %select_n3A_1081 : vector<1024x16xf32>
    %eq3A_1083 = arith.constant 5.000000e+00 : f32
    %eq3A_1084 = vector.broadcast %eq3A_1083 : f32 to vector<1024x16xf32>
    %eq3A_1085 = arith.cmpf oeq, %sub3A_969, %eq3A_1084 : vector<1024x16xf32>
    %slice3A_1086 = vector.extract_strided_slice %concatenate3A_614 {offsets = [0, 5], sizes = [1024, 1], strides = [1, 1]} : vector<1024x16xf32> to vector<1024x1xf32>
    %jit3A_1087 = arith.constant 0.000000e+00 : f32
    %broadcast_in_dim3A_1088 = vector.shape_cast %slice3A_1086 : vector<1024x1xf32> to vector<1024x1xf32>
    %broadcast_in_dim3A_1089 = vector.broadcast %broadcast_in_dim3A_1088 : vector<1024x1xf32> to vector<1024x16xf32>
    %broadcast_in_dim3A_1090 = vector.broadcast %jit3A_1087 : f32 to vector<1024x16xf32>
    %select_n3A_1091 = arith.select %eq3A_1085, %broadcast_in_dim3A_1089, %broadcast_in_dim3A_1090 : vector<1024x16xi1>, vector<1024x16xf32>
    %add3A_1092 = arith.addf %add3A_1072, %select_n3A_1091 : vector<1024x16xf32>
    %eq3A_1093 = arith.constant 6.000000e+00 : f32
    %eq3A_1094 = vector.broadcast %eq3A_1093 : f32 to vector<1024x16xf32>
    %eq3A_1095 = arith.cmpf oeq, %floor3A, %eq3A_1094 : vector<1024x16xf32>
    %slice3A_1096 = vector.extract_strided_slice %concatenate3A_313 {offsets = [0, 6], sizes = [1024, 1], strides = [1, 1]} : vector<1024x16xf32> to vector<1024x1xf32>
    %jit3A_1097 = arith.constant 0.000000e+00 : f32
    %broadcast_in_dim3A_1098 = vector.shape_cast %slice3A_1096 : vector<1024x1xf32> to vector<1024x1xf32>
    %broadcast_in_dim3A_1099 = vector.broadcast %broadcast_in_dim3A_1098 : vector<1024x1xf32> to vector<1024x16xf32>
    %broadcast_in_dim3A_1100 = vector.broadcast %jit3A_1097 : f32 to vector<1024x16xf32>
    %select_n3A_1101 = arith.select %eq3A_1095, %broadcast_in_dim3A_1099, %broadcast_in_dim3A_1100 : vector<1024x16xi1>, vector<1024x16xf32>
    %add3A_1102 = arith.addf %add3A_1082, %select_n3A_1101 : vector<1024x16xf32>
    %eq3A_1103 = arith.constant 6.000000e+00 : f32
    %eq3A_1104 = vector.broadcast %eq3A_1103 : f32 to vector<1024x16xf32>
    %eq3A_1105 = arith.cmpf oeq, %sub3A_969, %eq3A_1104 : vector<1024x16xf32>
    %slice3A_1106 = vector.extract_strided_slice %concatenate3A_614 {offsets = [0, 6], sizes = [1024, 1], strides = [1, 1]} : vector<1024x16xf32> to vector<1024x1xf32>
    %jit3A_1107 = arith.constant 0.000000e+00 : f32
    %broadcast_in_dim3A_1108 = vector.shape_cast %slice3A_1106 : vector<1024x1xf32> to vector<1024x1xf32>
    %broadcast_in_dim3A_1109 = vector.broadcast %broadcast_in_dim3A_1108 : vector<1024x1xf32> to vector<1024x16xf32>
    %broadcast_in_dim3A_1110 = vector.broadcast %jit3A_1107 : f32 to vector<1024x16xf32>
    %select_n3A_1111 = arith.select %eq3A_1105, %broadcast_in_dim3A_1109, %broadcast_in_dim3A_1110 : vector<1024x16xi1>, vector<1024x16xf32>
    %add3A_1112 = arith.addf %add3A_1092, %select_n3A_1111 : vector<1024x16xf32>
    %eq3A_1113 = arith.constant 7.000000e+00 : f32
    %eq3A_1114 = vector.broadcast %eq3A_1113 : f32 to vector<1024x16xf32>
    %eq3A_1115 = arith.cmpf oeq, %floor3A, %eq3A_1114 : vector<1024x16xf32>
    %slice3A_1116 = vector.extract_strided_slice %concatenate3A_313 {offsets = [0, 7], sizes = [1024, 1], strides = [1, 1]} : vector<1024x16xf32> to vector<1024x1xf32>
    %jit3A_1117 = arith.constant 0.000000e+00 : f32
    %broadcast_in_dim3A_1118 = vector.shape_cast %slice3A_1116 : vector<1024x1xf32> to vector<1024x1xf32>
    %broadcast_in_dim3A_1119 = vector.broadcast %broadcast_in_dim3A_1118 : vector<1024x1xf32> to vector<1024x16xf32>
    %broadcast_in_dim3A_1120 = vector.broadcast %jit3A_1117 : f32 to vector<1024x16xf32>
    %select_n3A_1121 = arith.select %eq3A_1115, %broadcast_in_dim3A_1119, %broadcast_in_dim3A_1120 : vector<1024x16xi1>, vector<1024x16xf32>
    %add3A_1122 = arith.addf %add3A_1102, %select_n3A_1121 : vector<1024x16xf32>
    %eq3A_1123 = arith.constant 7.000000e+00 : f32
    %eq3A_1124 = vector.broadcast %eq3A_1123 : f32 to vector<1024x16xf32>
    %eq3A_1125 = arith.cmpf oeq, %sub3A_969, %eq3A_1124 : vector<1024x16xf32>
    %slice3A_1126 = vector.extract_strided_slice %concatenate3A_614 {offsets = [0, 7], sizes = [1024, 1], strides = [1, 1]} : vector<1024x16xf32> to vector<1024x1xf32>
    %jit3A_1127 = arith.constant 0.000000e+00 : f32
    %broadcast_in_dim3A_1128 = vector.shape_cast %slice3A_1126 : vector<1024x1xf32> to vector<1024x1xf32>
    %broadcast_in_dim3A_1129 = vector.broadcast %broadcast_in_dim3A_1128 : vector<1024x1xf32> to vector<1024x16xf32>
    %broadcast_in_dim3A_1130 = vector.broadcast %jit3A_1127 : f32 to vector<1024x16xf32>
    %select_n3A_1131 = arith.select %eq3A_1125, %broadcast_in_dim3A_1129, %broadcast_in_dim3A_1130 : vector<1024x16xi1>, vector<1024x16xf32>
    %add3A_1132 = arith.addf %add3A_1112, %select_n3A_1131 : vector<1024x16xf32>
    %eq3A_1133 = arith.constant 8.000000e+00 : f32
    %eq3A_1134 = vector.broadcast %eq3A_1133 : f32 to vector<1024x16xf32>
    %eq3A_1135 = arith.cmpf oeq, %floor3A, %eq3A_1134 : vector<1024x16xf32>
    %slice3A_1136 = vector.extract_strided_slice %concatenate3A_313 {offsets = [0, 8], sizes = [1024, 1], strides = [1, 1]} : vector<1024x16xf32> to vector<1024x1xf32>
    %jit3A_1137 = arith.constant 0.000000e+00 : f32
    %broadcast_in_dim3A_1138 = vector.shape_cast %slice3A_1136 : vector<1024x1xf32> to vector<1024x1xf32>
    %broadcast_in_dim3A_1139 = vector.broadcast %broadcast_in_dim3A_1138 : vector<1024x1xf32> to vector<1024x16xf32>
    %broadcast_in_dim3A_1140 = vector.broadcast %jit3A_1137 : f32 to vector<1024x16xf32>
    %select_n3A_1141 = arith.select %eq3A_1135, %broadcast_in_dim3A_1139, %broadcast_in_dim3A_1140 : vector<1024x16xi1>, vector<1024x16xf32>
    %add3A_1142 = arith.addf %add3A_1122, %select_n3A_1141 : vector<1024x16xf32>
    %eq3A_1143 = arith.constant 8.000000e+00 : f32
    %eq3A_1144 = vector.broadcast %eq3A_1143 : f32 to vector<1024x16xf32>
    %eq3A_1145 = arith.cmpf oeq, %sub3A_969, %eq3A_1144 : vector<1024x16xf32>
    %slice3A_1146 = vector.extract_strided_slice %concatenate3A_614 {offsets = [0, 8], sizes = [1024, 1], strides = [1, 1]} : vector<1024x16xf32> to vector<1024x1xf32>
    %jit3A_1147 = arith.constant 0.000000e+00 : f32
    %broadcast_in_dim3A_1148 = vector.shape_cast %slice3A_1146 : vector<1024x1xf32> to vector<1024x1xf32>
    %broadcast_in_dim3A_1149 = vector.broadcast %broadcast_in_dim3A_1148 : vector<1024x1xf32> to vector<1024x16xf32>
    %broadcast_in_dim3A_1150 = vector.broadcast %jit3A_1147 : f32 to vector<1024x16xf32>
    %select_n3A_1151 = arith.select %eq3A_1145, %broadcast_in_dim3A_1149, %broadcast_in_dim3A_1150 : vector<1024x16xi1>, vector<1024x16xf32>
    %add3A_1152 = arith.addf %add3A_1132, %select_n3A_1151 : vector<1024x16xf32>
    %eq3A_1153 = arith.constant 9.000000e+00 : f32
    %eq3A_1154 = vector.broadcast %eq3A_1153 : f32 to vector<1024x16xf32>
    %eq3A_1155 = arith.cmpf oeq, %floor3A, %eq3A_1154 : vector<1024x16xf32>
    %slice3A_1156 = vector.extract_strided_slice %concatenate3A_313 {offsets = [0, 9], sizes = [1024, 1], strides = [1, 1]} : vector<1024x16xf32> to vector<1024x1xf32>
    %jit3A_1157 = arith.constant 0.000000e+00 : f32
    %broadcast_in_dim3A_1158 = vector.shape_cast %slice3A_1156 : vector<1024x1xf32> to vector<1024x1xf32>
    %broadcast_in_dim3A_1159 = vector.broadcast %broadcast_in_dim3A_1158 : vector<1024x1xf32> to vector<1024x16xf32>
    %broadcast_in_dim3A_1160 = vector.broadcast %jit3A_1157 : f32 to vector<1024x16xf32>
    %select_n3A_1161 = arith.select %eq3A_1155, %broadcast_in_dim3A_1159, %broadcast_in_dim3A_1160 : vector<1024x16xi1>, vector<1024x16xf32>
    %add3A_1162 = arith.addf %add3A_1142, %select_n3A_1161 : vector<1024x16xf32>
    %eq3A_1163 = arith.constant 9.000000e+00 : f32
    %eq3A_1164 = vector.broadcast %eq3A_1163 : f32 to vector<1024x16xf32>
    %eq3A_1165 = arith.cmpf oeq, %sub3A_969, %eq3A_1164 : vector<1024x16xf32>
    %slice3A_1166 = vector.extract_strided_slice %concatenate3A_614 {offsets = [0, 9], sizes = [1024, 1], strides = [1, 1]} : vector<1024x16xf32> to vector<1024x1xf32>
    %jit3A_1167 = arith.constant 0.000000e+00 : f32
    %broadcast_in_dim3A_1168 = vector.shape_cast %slice3A_1166 : vector<1024x1xf32> to vector<1024x1xf32>
    %broadcast_in_dim3A_1169 = vector.broadcast %broadcast_in_dim3A_1168 : vector<1024x1xf32> to vector<1024x16xf32>
    %broadcast_in_dim3A_1170 = vector.broadcast %jit3A_1167 : f32 to vector<1024x16xf32>
    %select_n3A_1171 = arith.select %eq3A_1165, %broadcast_in_dim3A_1169, %broadcast_in_dim3A_1170 : vector<1024x16xi1>, vector<1024x16xf32>
    %add3A_1172 = arith.addf %add3A_1152, %select_n3A_1171 : vector<1024x16xf32>
    %eq3A_1173 = arith.constant 1.000000e+01 : f32
    %eq3A_1174 = vector.broadcast %eq3A_1173 : f32 to vector<1024x16xf32>
    %eq3A_1175 = arith.cmpf oeq, %floor3A, %eq3A_1174 : vector<1024x16xf32>
    %slice3A_1176 = vector.extract_strided_slice %concatenate3A_313 {offsets = [0, 10], sizes = [1024, 1], strides = [1, 1]} : vector<1024x16xf32> to vector<1024x1xf32>
    %jit3A_1177 = arith.constant 0.000000e+00 : f32
    %broadcast_in_dim3A_1178 = vector.shape_cast %slice3A_1176 : vector<1024x1xf32> to vector<1024x1xf32>
    %broadcast_in_dim3A_1179 = vector.broadcast %broadcast_in_dim3A_1178 : vector<1024x1xf32> to vector<1024x16xf32>
    %broadcast_in_dim3A_1180 = vector.broadcast %jit3A_1177 : f32 to vector<1024x16xf32>
    %select_n3A_1181 = arith.select %eq3A_1175, %broadcast_in_dim3A_1179, %broadcast_in_dim3A_1180 : vector<1024x16xi1>, vector<1024x16xf32>
    %add3A_1182 = arith.addf %add3A_1162, %select_n3A_1181 : vector<1024x16xf32>
    %eq3A_1183 = arith.constant 1.000000e+01 : f32
    %eq3A_1184 = vector.broadcast %eq3A_1183 : f32 to vector<1024x16xf32>
    %eq3A_1185 = arith.cmpf oeq, %sub3A_969, %eq3A_1184 : vector<1024x16xf32>
    %slice3A_1186 = vector.extract_strided_slice %concatenate3A_614 {offsets = [0, 10], sizes = [1024, 1], strides = [1, 1]} : vector<1024x16xf32> to vector<1024x1xf32>
    %jit3A_1187 = arith.constant 0.000000e+00 : f32
    %broadcast_in_dim3A_1188 = vector.shape_cast %slice3A_1186 : vector<1024x1xf32> to vector<1024x1xf32>
    %broadcast_in_dim3A_1189 = vector.broadcast %broadcast_in_dim3A_1188 : vector<1024x1xf32> to vector<1024x16xf32>
    %broadcast_in_dim3A_1190 = vector.broadcast %jit3A_1187 : f32 to vector<1024x16xf32>
    %select_n3A_1191 = arith.select %eq3A_1185, %broadcast_in_dim3A_1189, %broadcast_in_dim3A_1190 : vector<1024x16xi1>, vector<1024x16xf32>
    %add3A_1192 = arith.addf %add3A_1172, %select_n3A_1191 : vector<1024x16xf32>
    %eq3A_1193 = arith.constant 1.100000e+01 : f32
    %eq3A_1194 = vector.broadcast %eq3A_1193 : f32 to vector<1024x16xf32>
    %eq3A_1195 = arith.cmpf oeq, %floor3A, %eq3A_1194 : vector<1024x16xf32>
    %slice3A_1196 = vector.extract_strided_slice %concatenate3A_313 {offsets = [0, 11], sizes = [1024, 1], strides = [1, 1]} : vector<1024x16xf32> to vector<1024x1xf32>
    %jit3A_1197 = arith.constant 0.000000e+00 : f32
    %broadcast_in_dim3A_1198 = vector.shape_cast %slice3A_1196 : vector<1024x1xf32> to vector<1024x1xf32>
    %broadcast_in_dim3A_1199 = vector.broadcast %broadcast_in_dim3A_1198 : vector<1024x1xf32> to vector<1024x16xf32>
    %broadcast_in_dim3A_1200 = vector.broadcast %jit3A_1197 : f32 to vector<1024x16xf32>
    %select_n3A_1201 = arith.select %eq3A_1195, %broadcast_in_dim3A_1199, %broadcast_in_dim3A_1200 : vector<1024x16xi1>, vector<1024x16xf32>
    %add3A_1202 = arith.addf %add3A_1182, %select_n3A_1201 : vector<1024x16xf32>
    %eq3A_1203 = arith.constant 1.100000e+01 : f32
    %eq3A_1204 = vector.broadcast %eq3A_1203 : f32 to vector<1024x16xf32>
    %eq3A_1205 = arith.cmpf oeq, %sub3A_969, %eq3A_1204 : vector<1024x16xf32>
    %slice3A_1206 = vector.extract_strided_slice %concatenate3A_614 {offsets = [0, 11], sizes = [1024, 1], strides = [1, 1]} : vector<1024x16xf32> to vector<1024x1xf32>
    %jit3A_1207 = arith.constant 0.000000e+00 : f32
    %broadcast_in_dim3A_1208 = vector.shape_cast %slice3A_1206 : vector<1024x1xf32> to vector<1024x1xf32>
    %broadcast_in_dim3A_1209 = vector.broadcast %broadcast_in_dim3A_1208 : vector<1024x1xf32> to vector<1024x16xf32>
    %broadcast_in_dim3A_1210 = vector.broadcast %jit3A_1207 : f32 to vector<1024x16xf32>
    %select_n3A_1211 = arith.select %eq3A_1205, %broadcast_in_dim3A_1209, %broadcast_in_dim3A_1210 : vector<1024x16xi1>, vector<1024x16xf32>
    %add3A_1212 = arith.addf %add3A_1192, %select_n3A_1211 : vector<1024x16xf32>
    %eq3A_1213 = arith.constant 1.200000e+01 : f32
    %eq3A_1214 = vector.broadcast %eq3A_1213 : f32 to vector<1024x16xf32>
    %eq3A_1215 = arith.cmpf oeq, %floor3A, %eq3A_1214 : vector<1024x16xf32>
    %slice3A_1216 = vector.extract_strided_slice %concatenate3A_313 {offsets = [0, 12], sizes = [1024, 1], strides = [1, 1]} : vector<1024x16xf32> to vector<1024x1xf32>
    %jit3A_1217 = arith.constant 0.000000e+00 : f32
    %broadcast_in_dim3A_1218 = vector.shape_cast %slice3A_1216 : vector<1024x1xf32> to vector<1024x1xf32>
    %broadcast_in_dim3A_1219 = vector.broadcast %broadcast_in_dim3A_1218 : vector<1024x1xf32> to vector<1024x16xf32>
    %broadcast_in_dim3A_1220 = vector.broadcast %jit3A_1217 : f32 to vector<1024x16xf32>
    %select_n3A_1221 = arith.select %eq3A_1215, %broadcast_in_dim3A_1219, %broadcast_in_dim3A_1220 : vector<1024x16xi1>, vector<1024x16xf32>
    %add3A_1222 = arith.addf %add3A_1202, %select_n3A_1221 : vector<1024x16xf32>
    %eq3A_1223 = arith.constant 1.200000e+01 : f32
    %eq3A_1224 = vector.broadcast %eq3A_1223 : f32 to vector<1024x16xf32>
    %eq3A_1225 = arith.cmpf oeq, %sub3A_969, %eq3A_1224 : vector<1024x16xf32>
    %slice3A_1226 = vector.extract_strided_slice %concatenate3A_614 {offsets = [0, 12], sizes = [1024, 1], strides = [1, 1]} : vector<1024x16xf32> to vector<1024x1xf32>
    %jit3A_1227 = arith.constant 0.000000e+00 : f32
    %broadcast_in_dim3A_1228 = vector.shape_cast %slice3A_1226 : vector<1024x1xf32> to vector<1024x1xf32>
    %broadcast_in_dim3A_1229 = vector.broadcast %broadcast_in_dim3A_1228 : vector<1024x1xf32> to vector<1024x16xf32>
    %broadcast_in_dim3A_1230 = vector.broadcast %jit3A_1227 : f32 to vector<1024x16xf32>
    %select_n3A_1231 = arith.select %eq3A_1225, %broadcast_in_dim3A_1229, %broadcast_in_dim3A_1230 : vector<1024x16xi1>, vector<1024x16xf32>
    %add3A_1232 = arith.addf %add3A_1212, %select_n3A_1231 : vector<1024x16xf32>
    %eq3A_1233 = arith.constant 1.300000e+01 : f32
    %eq3A_1234 = vector.broadcast %eq3A_1233 : f32 to vector<1024x16xf32>
    %eq3A_1235 = arith.cmpf oeq, %floor3A, %eq3A_1234 : vector<1024x16xf32>
    %slice3A_1236 = vector.extract_strided_slice %concatenate3A_313 {offsets = [0, 13], sizes = [1024, 1], strides = [1, 1]} : vector<1024x16xf32> to vector<1024x1xf32>
    %jit3A_1237 = arith.constant 0.000000e+00 : f32
    %broadcast_in_dim3A_1238 = vector.shape_cast %slice3A_1236 : vector<1024x1xf32> to vector<1024x1xf32>
    %broadcast_in_dim3A_1239 = vector.broadcast %broadcast_in_dim3A_1238 : vector<1024x1xf32> to vector<1024x16xf32>
    %broadcast_in_dim3A_1240 = vector.broadcast %jit3A_1237 : f32 to vector<1024x16xf32>
    %select_n3A_1241 = arith.select %eq3A_1235, %broadcast_in_dim3A_1239, %broadcast_in_dim3A_1240 : vector<1024x16xi1>, vector<1024x16xf32>
    %add3A_1242 = arith.addf %add3A_1222, %select_n3A_1241 : vector<1024x16xf32>
    %eq3A_1243 = arith.constant 1.300000e+01 : f32
    %eq3A_1244 = vector.broadcast %eq3A_1243 : f32 to vector<1024x16xf32>
    %eq3A_1245 = arith.cmpf oeq, %sub3A_969, %eq3A_1244 : vector<1024x16xf32>
    %slice3A_1246 = vector.extract_strided_slice %concatenate3A_614 {offsets = [0, 13], sizes = [1024, 1], strides = [1, 1]} : vector<1024x16xf32> to vector<1024x1xf32>
    %jit3A_1247 = arith.constant 0.000000e+00 : f32
    %broadcast_in_dim3A_1248 = vector.shape_cast %slice3A_1246 : vector<1024x1xf32> to vector<1024x1xf32>
    %broadcast_in_dim3A_1249 = vector.broadcast %broadcast_in_dim3A_1248 : vector<1024x1xf32> to vector<1024x16xf32>
    %broadcast_in_dim3A_1250 = vector.broadcast %jit3A_1247 : f32 to vector<1024x16xf32>
    %select_n3A_1251 = arith.select %eq3A_1245, %broadcast_in_dim3A_1249, %broadcast_in_dim3A_1250 : vector<1024x16xi1>, vector<1024x16xf32>
    %add3A_1252 = arith.addf %add3A_1232, %select_n3A_1251 : vector<1024x16xf32>
    %eq3A_1253 = arith.constant 1.400000e+01 : f32
    %eq3A_1254 = vector.broadcast %eq3A_1253 : f32 to vector<1024x16xf32>
    %eq3A_1255 = arith.cmpf oeq, %floor3A, %eq3A_1254 : vector<1024x16xf32>
    %slice3A_1256 = vector.extract_strided_slice %concatenate3A_313 {offsets = [0, 14], sizes = [1024, 1], strides = [1, 1]} : vector<1024x16xf32> to vector<1024x1xf32>
    %jit3A_1257 = arith.constant 0.000000e+00 : f32
    %broadcast_in_dim3A_1258 = vector.shape_cast %slice3A_1256 : vector<1024x1xf32> to vector<1024x1xf32>
    %broadcast_in_dim3A_1259 = vector.broadcast %broadcast_in_dim3A_1258 : vector<1024x1xf32> to vector<1024x16xf32>
    %broadcast_in_dim3A_1260 = vector.broadcast %jit3A_1257 : f32 to vector<1024x16xf32>
    %select_n3A_1261 = arith.select %eq3A_1255, %broadcast_in_dim3A_1259, %broadcast_in_dim3A_1260 : vector<1024x16xi1>, vector<1024x16xf32>
    %add3A_1262 = arith.addf %add3A_1242, %select_n3A_1261 : vector<1024x16xf32>
    %eq3A_1263 = arith.constant 1.400000e+01 : f32
    %eq3A_1264 = vector.broadcast %eq3A_1263 : f32 to vector<1024x16xf32>
    %eq3A_1265 = arith.cmpf oeq, %sub3A_969, %eq3A_1264 : vector<1024x16xf32>
    %slice3A_1266 = vector.extract_strided_slice %concatenate3A_614 {offsets = [0, 14], sizes = [1024, 1], strides = [1, 1]} : vector<1024x16xf32> to vector<1024x1xf32>
    %jit3A_1267 = arith.constant 0.000000e+00 : f32
    %broadcast_in_dim3A_1268 = vector.shape_cast %slice3A_1266 : vector<1024x1xf32> to vector<1024x1xf32>
    %broadcast_in_dim3A_1269 = vector.broadcast %broadcast_in_dim3A_1268 : vector<1024x1xf32> to vector<1024x16xf32>
    %broadcast_in_dim3A_1270 = vector.broadcast %jit3A_1267 : f32 to vector<1024x16xf32>
    %select_n3A_1271 = arith.select %eq3A_1265, %broadcast_in_dim3A_1269, %broadcast_in_dim3A_1270 : vector<1024x16xi1>, vector<1024x16xf32>
    %add3A_1272 = arith.addf %add3A_1252, %select_n3A_1271 : vector<1024x16xf32>
    %eq3A_1273 = arith.constant 1.500000e+01 : f32
    %eq3A_1274 = vector.broadcast %eq3A_1273 : f32 to vector<1024x16xf32>
    %eq3A_1275 = arith.cmpf oeq, %floor3A, %eq3A_1274 : vector<1024x16xf32>
    %slice3A_1276 = vector.extract_strided_slice %concatenate3A_313 {offsets = [0, 15], sizes = [1024, 1], strides = [1, 1]} : vector<1024x16xf32> to vector<1024x1xf32>
    %jit3A_1277 = arith.constant 0.000000e+00 : f32
    %broadcast_in_dim3A_1278 = vector.shape_cast %slice3A_1276 : vector<1024x1xf32> to vector<1024x1xf32>
    %broadcast_in_dim3A_1279 = vector.broadcast %broadcast_in_dim3A_1278 : vector<1024x1xf32> to vector<1024x16xf32>
    %broadcast_in_dim3A_1280 = vector.broadcast %jit3A_1277 : f32 to vector<1024x16xf32>
    %select_n3A_1281 = arith.select %eq3A_1275, %broadcast_in_dim3A_1279, %broadcast_in_dim3A_1280 : vector<1024x16xi1>, vector<1024x16xf32>
    %add3A_1282 = arith.addf %add3A_1262, %select_n3A_1281 : vector<1024x16xf32>
    %eq3A_1283 = arith.constant 1.500000e+01 : f32
    %eq3A_1284 = vector.broadcast %eq3A_1283 : f32 to vector<1024x16xf32>
    %eq3A_1285 = arith.cmpf oeq, %sub3A_969, %eq3A_1284 : vector<1024x16xf32>
    %slice3A_1286 = vector.extract_strided_slice %concatenate3A_614 {offsets = [0, 15], sizes = [1024, 1], strides = [1, 1]} : vector<1024x16xf32> to vector<1024x1xf32>
    %jit3A_1287 = arith.constant 0.000000e+00 : f32
    %broadcast_in_dim3A_1288 = vector.shape_cast %slice3A_1286 : vector<1024x1xf32> to vector<1024x1xf32>
    %broadcast_in_dim3A_1289 = vector.broadcast %broadcast_in_dim3A_1288 : vector<1024x1xf32> to vector<1024x16xf32>
    %broadcast_in_dim3A_1290 = vector.broadcast %jit3A_1287 : f32 to vector<1024x16xf32>
    %select_n3A_1291 = arith.select %eq3A_1285, %broadcast_in_dim3A_1289, %broadcast_in_dim3A_1290 : vector<1024x16xi1>, vector<1024x16xf32>
    %add3A_1292 = arith.addf %add3A_1272, %select_n3A_1291 : vector<1024x16xf32>
    %mul3A_1293 = arith.constant 2.560000e+02 : f32
    %mul3A_1294 = vector.broadcast %mul3A_1293 : f32 to vector<1024x16xf32>
    %mul3A_1295 = arith.mulf %add3A_1282, %mul3A_1294 : vector<1024x16xf32>
    %add3A_1296 = arith.addf %mul3A_1295, %add3A_1292 : vector<1024x16xf32>
    %jit3A_1297 = arith.constant 0.000000e+00 : f32
    %jit3A_1298 = arith.constant 6.553500e+04 : f32
    %max3A = vector.broadcast %jit3A_1297 : f32 to vector<1024x16xf32>
    %max3A_1299 = arith.maximumf %max3A, %add3A_1296 : vector<1024x16xf32>
    %min3A = vector.broadcast %jit3A_1298 : f32 to vector<1024x16xf32>
    %min3A_1300 = arith.minimumf %min3A, %max3A_1299 : vector<1024x16xf32>
    %slice3A_1301 = vector.extract_strided_slice %concatenate3A_961 {offsets = [0, 0], sizes = [1024, 1], strides = [1, 1]} : vector<1024x16xf32> to vector<1024x1xf32>
    %sub3A_1302 = vector.broadcast %slice3A_1301 : vector<1024x1xf32> to vector<1024x16xf32>
    %sub3A_1303 = arith.subf %concatenate3A_961, %sub3A_1302 : vector<1024x16xf32>
    %exp3A = math.exp %sub3A_1303 : vector<1024x16xf32>
    %reduce_sum3A = arith.constant dense<0.000000e+00> : vector<1024xf32>
    %reduce_sum3A_1304 = vector.multi_reduction <add>, %exp3A, %reduce_sum3A [1] : vector<1024x16xf32> to vector<1024xf32>
    %broadcast_in_dim3A_1305 = vector.shape_cast %reduce_sum3A_1304 : vector<1024xf32> to vector<1024x1xf32>
    %div3A = vector.broadcast %broadcast_in_dim3A_1305 : vector<1024x1xf32> to vector<1024x16xf32>
    %div3A_1306 = arith.divf %exp3A, %div3A : vector<1024x16xf32>
    %swap3A = arith.constant 0 : index
    %swap3A_1307 = arith.constant 0 : index
    %swap3A_1308 = vector.load %arg4[%swap3A, %swap3A_1307] : memref<1024x16xf32, #tpu.memory_space<vmem>>, vector<1024x16xf32>
    tpu.vector_store %arg4[%swap3A, %swap3A_1307], %div3A_1306 {strides = array<i32>} : memref<1024x16xf32, #tpu.memory_space<vmem>>, vector<1024x16xf32>,
    %convert_element_type3A_1309 = arith.fptosi %min3A_1300 : vector<1024x16xf32> to vector<1024x16xi32>
    %swap3A_1310 = arith.constant 0 : index
    %swap3A_1311 = arith.constant 0 : index
    %swap3A_1312 = vector.load %arg5[%swap3A_1310, %swap3A_1311] : memref<1024x16xi32, #tpu.memory_space<vmem>>, vector<1024x16xi32>
    tpu.vector_store %arg5[%swap3A_1310, %swap3A_1311], %convert_element_type3A_1309 {strides = array<i32>} : memref<1024x16xi32, #tpu.memory_space<vmem>>, vector<1024x16xi32>,
    return
  }
  func.func @transform_0(%arg0: i32) -> (i32, i32) {
    %c0_i32 = arith.constant 0 : i32
    %c0_i32_0 = arith.constant 0 : i32
    return %arg0, %c0_i32 : i32, i32
  }
  func.func @transform_1(%arg0: i32) -> (i32, i32) {
    %c0_i32 = arith.constant 0 : i32
    %c0_i32_0 = arith.constant 0 : i32
    %c0_i32_1 = arith.constant 0 : i32
    return %c0_i32, %c0_i32_0 : i32, i32
  }
  func.func @transform_2(%arg0: i32) -> (i32, i32) {
    %c0_i32 = arith.constant 0 : i32
    %c0_i32_0 = arith.constant 0 : i32
    %c0_i32_1 = arith.constant 0 : i32
    return %c0_i32, %c0_i32_0 : i32, i32
  }
  func.func @transform_3(%arg0: i32) -> (i32, i32) {
    %c0_i32 = arith.constant 0 : i32
    %c0_i32_0 = arith.constant 0 : i32
    return %arg0, %c0_i32 : i32, i32
  }
  func.func @transform_4(%arg0: i32) -> (i32, i32) {
    %c0_i32 = arith.constant 0 : i32
    %c0_i32_0 = arith.constant 0 : i32
    return %arg0, %c0_i32 : i32, i32
  }
}

</mosaic_0001>

<sc_bundles>
// kernel: kernel.4.cloned.1.call-start
scs
__scs_entry_jumppad:
0x0: {  	(pc) =	sbr.rel $0x88, $3  }
0x1: {  	(tag) =	ssettag $0x0;
	lr =	simm.s32 $0x1  }
0x2: {  	[smem:$0x3F9D] =	sst lr;
	_ =	strace $0xD0000000  }
0x3: {  	_ = 	snop  }
0x4: {  	_ = 	snop  }
0x5: {  	_ = 	snop  }
0x6: {  	_ = 	snop  }
0x7: {  	_ = 	snop  }
__scs_overlays_trampoline_lowered:
0x8: {  	[smem:$0x3FAC] =	sst s0  }
0x9: {  	[smem:$0x3FAD] =	sst s1  }
0xa: {  	[smem:$0x3FAE] =	sst s2  }
0xb: {  	[smem:$0x3FAF] =	sst s3  }
0xc: {  	[smem:$0x3FB0] =	sst s4  }
0xd: {  	[smem:$0x3FB1] =	sst s5  }
0xe: {  	[smem:$0x3FB2] =	sst s6  }
0xf: {  	[smem:$0x3FB3] =	sst s7  }
0x10: {  	[smem:$0x3FB4] =	sst s8  }
0x11: {  	[smem:$0x3FB5] =	sst s9;
	s0 =	simm.s32 @!p0 $0x0  }
0x12: {  	s1 =	sld [smem:$0x3F9B];
	s0 =	simm.s32 @p0 $0x1  }
0x13: {  	[smem:$0x3FB6] =	sst s0;
	s0 =	simm.s32 @!p1 $0x0  }
0x14: {  	s2 =	sld [smem:$0x3F9A];
	s0 =	simm.s32 @p1 $0x1  }
0x15: {  	[smem:$0x3FB7] =	sst s0;
	s0 =	simm.s32 @!p2 $0x0  }
0x16: {  	s3 =	sld [smem:$0x3FDB];
	s0 =	simm.s32 @p2 $0x1  }
0x17: {  	s4 =	simm.s32 $0x1BF5;
	[smem:$0x3FB9] =	sst s0  }
0x18: {  	s0 =	sld [smem:$0x3F9C];
	_ =	swait.ge [sflag:s4], $0x0  }
0x19: {  	s7 =	sld [smem:$0x3F9D]  }
0x1a: {  	s8 =	sadd.s32 $0xFFFFE003, lr  }
0x1b: {  	s9 =	sadd.s32 $0xFFFFFEF7, lr;
	s5 =	simm.s32 $0xFFFFFFFF;
	p2 =	slt.u32 s8, $0xFFFFF086  }
0x1c: {  	p1 =	slt.u32 s9, $0xF7A;
	s5 =	simm.s32 @!p2 $0x0  }
0x1d: {  	s5 =	simm.s32 @p1 $0x1;
	p0 =	seq.s32 s7, s2  }
0x1e: {  	s7 =	smul.u32 @!p0 $0xF7A, s2;
	p2 =	seq.s32 @!p0 s5, $0x0  }
0x1f: {  	s9 =	smul.u32 $0xF7A, s1;
	s8 =	simm.s32 @!p0 $0x1BF5;
	p2 =	por !p2, p0  }
0x20: {  	[sflag:s8] =	ssyncset.s32 @!p0 $0xFFFFF086;
	s6 =	sadd.s32 @!p0 s3, s7;
	s7 =	simm.s32 @!p0 $0x108  }
0x21: {  	s3 =	sadd.s32 s3, s9;
	s6 =	sadd.s32 @!p0 $0x88, s6;
	s7 =	simm.s32 @p2 $0x1082  }
0x22: {  	[simem:s7], [sflag:s8] =	dma.local @!p0 [hbm:s6], $0xF7A  }
0x23: {  	s9 =	sor.u32 $0xD0000000, s2;
	s6 =	simm.s32 $0x108;
	_ =	swait.ge @!p0 [sflag:s8], $0x0  }
0x24: {  	s3 =	sadd.s32 $0x88, s3;
	s6 =	simm.s32 @!p1 $0x1082;
	[sflag:s4] =	ssyncset.s32 $0xFFFFF086  }
0x25: {  	[simem:s6], [sflag:s4] =	dma.local [hbm:s3], $0xF7A  }
0x26: {  	[smem:$0x3F9D] =	sst s1;
	(tag) =	ssettag s2;
	_ =	strace s9  }
0x27: {  	s1 =	sld [smem:$0x3FAD]  }
0x28: {  	s2 =	sld [smem:$0x3FAE]  }
0x29: {  	s4 =	sld [smem:$0x3FB0]  }
0x2a: {  	p0 =	seq.s32 s5, $0x0;
	s5 =	sld [smem:$0x3FB1]  }
0x2b: {  	s6 =	sld [smem:$0x3FB2]  }
0x2c: {  	s7 =	sld [smem:$0x3FB3]  }
0x2d: {  	s3 =	simm.s32 $0x108;
	s8 =	sld [smem:$0x3FB4]  }
0x2e: {  	s3 =	simm.s32 @!p0 $0x1082;
	s9 =	sld [smem:$0x3FB5]  }
0x2f: {  	lr =	sadd.s32 s0, s3;
	s0 =	sld [smem:$0x3FAC]  }
0x30: {  	s3 =	sld [smem:$0x3FAF]  }
0x31: {  	[smem:$0x3FB8] =	sst s10  }
0x32: {  	s10 =	sld [smem:$0x3FB6];
	_ =	sdelay $0x3  }
0x33: {  	p0 =	seq.s32 s10, $0x1;
	s10 =	sld [smem:$0x3FB8];
	_ =	sdelay $0x3  }
0x34: {  	[smem:$0x3FB8] =	sst s10  }
0x35: {  	s10 =	sld [smem:$0x3FB7];
	_ =	sdelay $0x3  }
0x36: {  	p1 =	seq.s32 s10, $0x1;
	s10 =	sld [smem:$0x3FB8];
	_ =	sdelay $0x3  }
0x37: {  	[smem:$0x3FB8] =	sst s10  }
0x38: {  	s10 =	sld [smem:$0x3FB9]  }
0x39: {  	_ = 	snop;
	(pc) =	sbr.ind lr, $3  }
0x3a: {  	_ = 	snop  }
0x3b: {  	_ = 	snop  }
0x3c: {  	p2 =	seq.s32 s10, $0x1;
	s10 =	sld [smem:$0x3FB8]  }
0x3d: {  	_ =	shalt  }
0x3e: {  	_ =	shalt  }
0x3f: {  	_ =	shalt  }
0x40: {  	_ =	shalt  }
0x41: {  	_ =	shalt  }
0x42: {  	_ =	shalt  }
0x43: {  	_ =	shalt  }
0x44: {  	_ =	shalt  }
0x45: {  	_ =	shalt  }
0x46: {  	_ =	shalt  }
0x47: {  	_ =	shalt  }
0x48: {  	_ =	shalt  }
0x49: {  	_ =	shalt  }
0x4a: {  	_ =	shalt  }
0x4b: {  	_ =	shalt  }
0x4c: {  	_ =	shalt  }
0x4d: {  	_ =	shalt  }
0x4e: {  	_ =	shalt  }
0x4f: {  	_ =	shalt  }
0x50: {  	_ =	shalt  }
0x51: {  	_ =	shalt  }
0x52: {  	_ =	shalt  }
0x53: {  	_ =	shalt  }
0x54: {  	_ =	shalt  }
0x55: {  	_ =	shalt  }
0x56: {  	_ =	shalt  }
0x57: {  	_ =	shalt  }
0x58: {  	_ =	shalt  }
0x59: {  	_ =	shalt  }
0x5a: {  	_ =	shalt  }
0x5b: {  	_ =	shalt  }
0x5c: {  	_ =	shalt  }
0x5d: {  	_ =	shalt  }
0x5e: {  	_ =	shalt  }
0x5f: {  	_ =	shalt  }
0x60: {  	_ =	shalt  }
0x61: {  	_ =	shalt  }
0x62: {  	_ =	shalt  }
0x63: {  	_ =	shalt  }
0x64: {  	_ =	shalt  }
0x65: {  	_ =	shalt  }
0x66: {  	_ =	shalt  }
0x67: {  	_ =	shalt  }
0x68: {  	_ =	shalt  }
0x69: {  	_ =	shalt  }
0x6a: {  	_ =	shalt  }
0x6b: {  	_ =	shalt  }
0x6c: {  	_ =	shalt  }
0x6d: {  	_ =	shalt  }
0x6e: {  	_ =	shalt  }
0x6f: {  	_ =	shalt  }
0x70: {  	_ =	shalt  }
0x71: {  	_ =	shalt  }
0x72: {  	_ =	shalt  }
0x73: {  	_ =	shalt  }
0x74: {  	_ =	shalt  }
0x75: {  	_ =	shalt  }
0x76: {  	_ =	shalt  }
0x77: {  	_ =	shalt  }
0x78: {  	_ =	shalt  }
0x79: {  	_ =	shalt  }
0x7a: {  	_ =	shalt  }
0x7b: {  	_ =	shalt  }
0x7c: {  	_ =	shalt  }
0x7d: {  	_ =	shalt  }
0x7e: {  	_ =	shalt  }
0x7f: {  	_ =	shalt  }
0x80: {  	_ =	shalt  }
0x81: {  	_ =	shalt  }
0x82: {  	_ =	shalt  }
0x83: {  	_ =	shalt  }
0x84: {  	_ =	shalt  }
0x85: {  	_ =	shalt  }
0x86: {  	_ =	shalt  }
0x87: {  	_ =	shalt  }
.Lfunc_end0:
.L_simem_size_0:
called_computation_lowered:
.L_overlay_start_0:
0x88: {  	s2 =	sld [smem:$0x3FD9]  }
0x89: {  	s3 =	sld [smem:$0x3FFE];
	_ =	sdelay $0x1  }
0x8a: {  	s1 =	srdreg.scid  }
0x8b: {  	s0 =	sand.u32 $0x1, s1  }
0x8c: {  	s17 =	sshll.u32 s0, $0xA;
	s2 =	sadd.s32 s3, s2  }
0x8d: {  	s2 =	sadd.s32 s2, s17  }
0x8e: {  	[smem:$0x3FC4] =	sst s2  }
0x8f: {  	_ = 	snop  }
0x90: {  	s2 =	sld [smem:$0x3FC6]  }
0x91: {  	s18 =	sld [smem:$0x3FD0];
	(tm) =	ssettm $0x1  }
0x92: {  	s4 =	sld [smem:$0x3FFB];
	_ =	sdelay $0x3  }
0x93: {  	_ =	strace s4  }
0x94: {  	s4 =	sld [smem:$0x3FFC];
	_ =	sdelay $0x3  }
0x95: {  	_ =	strace s4  }
0x96: {  	s4 =	sld [smem:$0x3FFD];
	_ =	sdelay $0x3  }
0x97: {  	_ =	strace s4  }
0x98: {  	_ =	strace $0x8FFFFFFF  }
0x99: {  	s19 =	sld [smem:$0x3FDB];
	_ =	sdelay $0x1  }
0x9a: {  	s5 =	simm.s32 $_scs_section_size  }
0x9b: {  	s6 =	simm.s32 $_size__tile_overlayer_lowered;
	s7 =	simm.s32 $_tile_overlayer_lowered  }
0x9c: {  	s22 =	simm.s32 $0x1BFF;
	s21 =	sshll.u32 s7, $0x1;
	s4 =	sadd.s32 s5, s19  }
0x9d: {  	s8 =	simm.s32 $0x0;
	s20 =	sshll.u32 s6, $0x1;
	s6 =	sadd.s32 s21, s4  }
0x9e: {  	[timem:s8], [sflag:s22] =	dma.local [hbm:s6], s20  }
0x9f: {  	_ =	swait.ge [sflag:s22], s20  }
0xa0: {  	s5 =	ssub.s32 $0x0, s20;
	[sflag:s22] =	ssyncset.done $0x0  }
0xa1: {  	[sflag:s22] =	ssyncadd.s32 s5;
	_ =	sdelay $0x1  }
0xa2: {  	s23 =	simm.s32 $0x1B8B  }
0xa3: {  	_ =	swait.ge [sflag:s23], $0x1  }
0xa4: {  	[sflag:s23] =	ssyncset.done $0x0  }
0xa5: {  	s25 =	simm.s32 $0x1B8E;
	s24 =	sld [smem:$0x3FFE];
	[sflag:s23] =	ssyncadd.s32 $0xFFFFFFFF  }
0xa6: {  	s26 =	simm.s32 $execute0_lowered;
	[smem:$0x3FD2] =	sst s25  }
0xa7: {  	s6 =	sshll.u32 s26, $0x1;
	_ =	strace $0x80000046;
	[dreg:$0x1] =	wrdreg $0xFFFFFFFF  }
0xa8: {  	s28 =	simm.s32 $_size_execute0_lowered;
	s4 =	sadd.s32 s4, s6;
	[dreg:$0x0] =	wrdreg $0x0  }
0xa9: {  	s6 =	sshll.u32 s28, $0x1;
	[dreg:$0x2] =	wrdreg s4  }
0xaa: {  	[dreg:$0x3] =	wrdreg s6  }
0xab: {  	[dreg:$0x4] =	wrdreg $0xC0  }
0xac: {  	_ =	task [dreg:s8], $0x5FFFF  }
0xad: {  	[dreg:$0x1] =	wrdreg $0xFFFFFFFF  }
0xae: {  	[dreg:$0x0] =	wrdreg $0x60  }
0xaf: {  	[dreg:$0x2] =	wrdreg s24  }
0xb0: {  	[dreg:$0x3] =	wrdreg s2  }
0xb1: {  	[dreg:$0x4] =	wrdreg s18  }
0xb2: {  	[dreg:$0x5] =	wrdreg $0x9  }
0xb3: {  	_ =	task.clear_ibuf [dreg:s8], $0x6FFFF;
	_ =	strace $0x90000046  }
0xb4: {  	s29 =	simm.s32 $0x9;
	_ =	strace $0x80000048  }
0xb5: {  	_ =	swait.ge [sflag:s29], $0x1  }
0xb6: {  	[sflag:s29] =	ssyncadd.s32 $0xFFFFFFFF  }
0xb7: {  	_ =	strace $0x90000048  }
0xb8: {  	_ =	sfence  }
0xb9: {  	s30 =	sld [smem:$0x0];
	_ =	sdelay $0x2  }
0xba: {  	s31 =	sshll.u32 s1, $0xD;
	s1 =	sshrl.u32 s1, $0x2  }
0xbb: {  	s3 =	sand.u32 $0x4000, s31;
	s1 =	sadd.s32 s1, s30  }
0xbc: {  	s0 =	sor.u32 s3, s0;
	s1 =	sshll.u32 s1, $0x11  }
0xbd: {  	s0 =	sor.u32 s1, s0  }
0xbe: {  	s0 =	sadd.s32 $0x8F2B, s0  }
0xbf: {  	[sflag:s0] =	ssyncadd.remote.s32 $0x1  }
0xc0: {  	_ =	sfence.sel $0xFFFF  }
0xc1: {  	[dreg:$0x0] =	wrdreg $0xFFFFFFFF;
	(pc) =	sbr.abs _section_cstart, $3  }
0xc2: {  	[dreg:$0x1] =	wrdreg $0xFFFFFFFF  }
0xc3: {  	_ =	task.clear_ibuf [dreg:s8], $0x2FFFF;
	_ =	strace $0x9FFFFFFF  }
0xc4: {  	(tm) =	ssettm $0x7FFFFFFF  }
0xc5: {  	_ =	shalt  }
tec
execute0_lowered:
.L_overlay_start_1:
0x0: {  	(tag) =	ssettag $0x1  }
0x1: {  	s0 =	rddreg [dreg:$0x0]  }
0x2: {  	s1 =	rddreg [dreg:$0x1]  }
0x3: {  	s3 =	rddreg [dreg:$0x2];
	s4 =	simm.s32 $0x0;
	s2 =	srdreg.scid  }
0x4: {  	s5 =	stileid.u32;
	s12 =	simm.s32 $0x3;
	s22 =	simm.s32 $0x8800  }
0x5: {  	s23 =	simm.s32 $0x9000;
	s24 =	simm.s32 $0x9800;
	s28 =	simm.s32 $0xB000  }
0x6: {  	s29 =	simm.s32 $0xB800;
	s30 =	simm.s32 $0xC000;
	s31 =	simm.s32 $0x1  }
0x7: {  	[smem:$0x7FF] =	sst s4;
	s2 =	sand.u32 $0x1, s2;
	s5 =	sshll.u32 s5, $0x1  }
0x8: {  	s8 =	sadd.s32 $0x200, s1;
	_ =	strace $0x80000047;
	s9 =	sor.u32 s2, s5  }
0x9: {  	s2 =	ssub.s32 $0x2, s2;
	s5 =	sshll.u32 s9, $0xB;
	s6 =	sshll.u32 s9, $0x8  }
0xa: {  	s25 =	sshrl.u32 s2, $0x1;
	s26 =	sshll.u32 s9, $0x11;
	s9 =	sadd.s32 $0x300, s1  }
0xb: {  	s7 =	sadd.s32 s5, s0;
	s0 =	sadd.s32 s6, s0;
	s2 =	ssub.s32 s2, s25  }
0xc: {  	v2 =	vlaneseq.u32;
	s10 =	sadd.s32 $0xFFFFE400, s26;
	s25 =	simm.s32 $0xA000;
	s26 =	simm.s32 $0xA800  }
0xd: {  	vm0 =	vmmov $0xffff;
	v1 =	vshrl.u32 v2, $0x3;
	s5 =	sadd.s32 $0x10E00, s0;
	s6 =	sadd.s32 $0xE00, s7;
	s7 =	sadd.s32 $0x100, s1  }
0xe: {  	v0 =	vand.u32 $0x7, v2;
	v2 =	vor.u32 $0x8, v2;
	v1 =	vmul.u32 $0x8, v1;
	s11 =	smax.u32 s2, $0x1;
	s0 =	simm.s32 $0x2;
	s2 =	simm.s32 $0x0  }
.LBB2_1:
0xf: {  	[tilespmem:s4], [sflag:$0x3] =	stream.linear.gather [hbm4b:s5+s4], $0x800, $0x38;
	[tilespmem:$0xE800] =	vst v63  }
0x10: {  	_ =	swait.ge [sflag:s12], $0x800  }
0x11: {  	[sflag:s12] =	ssyncset.done $0x0  }
0x12: {  	s13 =	simm.s32 $0x800;
	[sflag:s12] =	ssyncadd.s32 $0xFFFFF800  }
0x13: {  	[tilespmem:s13], [sflag:$0x3] =	stream.linear.gather [hbm4b:s6+s4], $0x4000, $0x38;
	[tilespmem:$0xE800] =	vst v63  }
0x14: {  	_ =	swait.ge [sflag:s12], $0x4000  }
0x15: {  	[sflag:s12] =	ssyncset.done $0x0  }
0x16: {  	[sflag:s12] =	ssyncadd.s32 $0xFFFFC000  }
0x17: {  	v3 =	vld [tilespmem:$0x0];
	_ =	sdelay $0x4  }
0x18: {  	v4 =	vshll.u32 v3, $0x3  }
0x19: {  	v3 =	vand.u32 $0x7, v3;
	v4 =	vand.u32 $0xFFFFFFC0, v4  }
0x1a: {  	v3 =	vor.u32 v3, v4  }
0x1b: {  	v4 =	vperm.xlane v3, v0;
	_ =	sdelay $0x1  }
0x1c: {  	v4 =	vadd.s32 v1, v4;
	_ =	sdelay $0x3  }
0x1d: {  	s14 =	simm.s32 $0x4800  }
0x1e: {  	[tilespmem:s14], [sflag:$0x1] =	stream.indirect_vreg.gather [hbm4b:s1+s4], $0x80, v4, vm0, $0xb8;
	[tilespmem:$0xE800] =	vst v63  }
0x1f: {  	s15 =	simm.s32 $0x5000;
	v3 =	vperm.xlane v3, v2  }
0x20: {  	[tilespmem:s15], [sflag:$0x1] =	stream.indirect_vreg.gather [hbm4b:s7+s4], $0x80, v4, vm0, $0xb8;
	[tilespmem:$0xE800] =	vst v63  }
0x21: {  	s16 =	simm.s32 $0x5800;
	v3 =	vadd.s32 v1, v3  }
0x22: {  	[tilespmem:s16], [sflag:$0x1] =	stream.indirect_vreg.gather [hbm4b:s8+s4], $0x80, v4, vm0, $0xb8;
	[tilespmem:$0xE800] =	vst v63  }
0x23: {  	s17 =	simm.s32 $0x6000  }
0x24: {  	[tilespmem:s17], [sflag:$0x1] =	stream.indirect_vreg.gather [hbm4b:s9+s4], $0x80, v4, vm0, $0xb8;
	[tilespmem:$0xE800] =	vst v63  }
0x25: {  	s18 =	simm.s32 $0x6800  }
0x26: {  	[tilespmem:s18], [sflag:$0x1] =	stream.indirect_vreg.gather [hbm4b:s1+s4], $0x80, v3, vm0, $0xb8;
	[tilespmem:$0xE800] =	vst v63  }
0x27: {  	s19 =	simm.s32 $0x7000  }
0x28: {  	[tilespmem:s19], [sflag:$0x1] =	stream.indirect_vreg.gather [hbm4b:s7+s4], $0x80, v3, vm0, $0xb8;
	[tilespmem:$0xE800] =	vst v63  }
0x29: {  	s20 =	simm.s32 $0x7800  }
0x2a: {  	[tilespmem:s20], [sflag:$0x1] =	stream.indirect_vreg.gather [hbm4b:s8+s4], $0x80, v3, vm0, $0xb8;
	[tilespmem:$0xE800] =	vst v63  }
0x2b: {  	s21 =	simm.s32 $0x8000;
	s13 =	simm.s32 $0x0  }
0x2c: {  	[tilespmem:s21], [sflag:$0x1] =	stream.indirect_vreg.gather [hbm4b:s9+s4], $0x80, v3, vm0, $0xb8;
	[tilespmem:$0xE800] =	vst v63  }
.LBB2_2:
0x2d: {  	s14 =	sshllo.u32 s13, $0x1  }
0x2e: {  	s15 =	sshll.u32 s14, $0x4  }
0x2f: {  	s15 =	sand.u32 $0x3FFFFFF0, s15  }
0x30: {  	v3 =	vld [tilespmem:s15+$0x0];
	_ =	sdelay $0x4  }
0x31: {  	v4 =	vshll.u32 v3, $0x3  }
0x32: {  	v3 =	vand.u32 $0x7, v3;
	v4 =	vand.u32 $0xFFFFFFC0, v4  }
0x33: {  	v3 =	vor.u32 v3, v4  }
0x34: {  	v4 =	vperm.xlane v3, v0;
	_ =	sdelay $0x1  }
0x35: {  	v4 =	vadd.s32 v1, v4;
	_ =	sdelay $0x3  }
0x36: {  	s17 =	simm.s32 $0x0  }
0x37: {  	[tilespmem:s22], [sflag:$0x2] =	stream.indirect_vreg.gather [hbm4b:s1+s17], $0x80, v4, vm0, $0xb8;
	[tilespmem:$0xE800] =	vst v63  }
0x38: {  	v3 =	vperm.xlane v3, v2  }
0x39: {  	[tilespmem:s23], [sflag:$0x2] =	stream.indirect_vreg.gather [hbm4b:s7+s17], $0x80, v4, vm0, $0xb8;
	[tilespmem:$0xE800] =	vst v63  }
0x3a: {  	v3 =	vadd.s32 v1, v3  }
0x3b: {  	[tilespmem:s24], [sflag:$0x2] =	stream.indirect_vreg.gather [hbm4b:s8+s17], $0x80, v4, vm0, $0xb8;
	[tilespmem:$0xE800] =	vst v63  }
0x3c: {  	_ = 	snop  }
0x3d: {  	[tilespmem:s25], [sflag:$0x2] =	stream.indirect_vreg.gather [hbm4b:s9+s17], $0x80, v4, vm0, $0xb8;
	[tilespmem:$0xE800] =	vst v63  }
0x3e: {  	_ = 	snop  }
0x3f: {  	[tilespmem:s26], [sflag:$0x2] =	stream.indirect_vreg.gather [hbm4b:s1+s17], $0x80, v3, vm0, $0xb8;
	[tilespmem:$0xE800] =	vst v63  }
0x40: {  	_ = 	snop  }
0x41: {  	[tilespmem:s28], [sflag:$0x2] =	stream.indirect_vreg.gather [hbm4b:s7+s17], $0x80, v3, vm0, $0xb8;
	[tilespmem:$0xE800] =	vst v63  }
0x42: {  	_ = 	snop  }
0x43: {  	[tilespmem:s29], [sflag:$0x2] =	stream.indirect_vreg.gather [hbm4b:s8+s17], $0x80, v3, vm0, $0xb8;
	[tilespmem:$0xE800] =	vst v63  }
0x44: {  	_ = 	snop  }
0x45: {  	[tilespmem:s30], [sflag:$0x2] =	stream.indirect_vreg.gather [hbm4b:s9+s17], $0x80, v3, vm0, $0xb8;
	[tilespmem:$0xE800] =	vst v63  }
0x46: {  	s18 =	sshll.u32 s13, $0x8;
	_ =	swait.ge [sflag:s31], $0x4000  }
0x47: {  	s19 =	sand.u32 $0x3FFFFF00, s18;
	[sflag:s31] =	ssyncset.done $0x0  }
0x48: {  	s16 =	sand.u32 $0x1C00, s17;
	s15 =	sand.u32 $0x70, s17;
	[sflag:s31] =	ssyncadd.s32 $0xFFFFC000  }
0x49: {  	s20 =	sor.u32 s15, s16;
	v18 =	vld [tilespmem:s19+$0x800]  }
0x4a: {  	v30 =	vld [tilespmem:s20+$0x4800]  }
0x4b: {  	v32 =	vld [tilespmem:s20+$0x4880]  }
0x4c: {  	v20 =	vld [tilespmem:s20+$0x4900]  }
0x4d: {  	v21 =	vld [tilespmem:s20+$0x4980]  }
0x4e: {  	v19 =	vld [tilespmem:s20+$0x4A00]  }
0x4f: {  	v22 =	vld [tilespmem:s20+$0x4A80];
	v3 =	vbroadcast v18, $0x0;
	v4 =	vbroadcast v18, $0x1  }
0x50: {  	v23 =	vld [tilespmem:s20+$0x4B00];
	v5 =	vbroadcast v18, $0x2;
	v6 =	vbroadcast v18, $0x3  }
0x51: {  	v25 =	vld [tilespmem:s20+$0x6800];
	v7 =	vbroadcast v18, $0x4;
	v8 =	vbroadcast v18, $0x5  }
0x52: {  	v26 =	vld [tilespmem:s20+$0x6880];
	v9 =	vbroadcast v18, $0x6;
	v10 =	vbroadcast v18, $0x7  }
0x53: {  	s21 =	sor.u32 s17, s17;
	v27 =	vld [tilespmem:s20+$0x6900];
	v11 =	vbroadcast v18, $0x8;
	v12 =	vbroadcast v18, $0x9  }
0x54: {  	s19 =	sor.u32 $0x380, s21;
	v28 =	vld [tilespmem:s20+$0x6980];
	v13 =	vbroadcast v18, $0xA;
	v14 =	vbroadcast v18, $0xB  }
0x55: {  	v24 =	vld [tilespmem:s19+$0x4800];
	v15 =	vbroadcast v18, $0xC;
	v16 =	vbroadcast v18, $0xD  }
0x56: {  	s18 =	sand.u32 $0x300, s18;
	v29 =	vld [tilespmem:s20+$0x6A00];
	v17 =	vbroadcast v18, $0xE;
	v18 =	vbroadcast v18, $0xF  }
0x57: {  	s18 =	sor.u32 $0xC800, s18;
	s19 =	simm.s32 $0x10;
	v31 =	vmul.f32 v30, v3;
	v32 =	vmul.f32 v32, v4;
	v30 =	vld [tilespmem:s20+$0x6A80]  }
.LBB2_3:
0x58: {  	p0 =	sne.s32 s19, $0x3F0;
	v20 =	vmul.f32 v20, v5;
	v21 =	vmul.f32 v21, v6;
	v33 =	vld [tilespmem:s20+$0x6B00]  }
0x59: {  	v19 =	vmul.f32 v19, v7;
	v22 =	vmul.f32 v22, v8;
	v34 =	vld [tilespmem:s20+$0x6B80]  }
0x5a: {  	v23 =	vmul.f32 v23, v9;
	v24 =	vmul.f32 v24, v10  }
0x5b: {  	v25 =	vmul.f32 v25, v11;
	v26 =	vmul.f32 v26, v12;
	v31 =	vadd.f32 v32, v31  }
0x5c: {  	v27 =	vmul.f32 v27, v13;
	v28 =	vmul.f32 v28, v14;
	v20 =	vadd.f32 v21, v20  }
0x5d: {  	v19 =	vadd.f32 v22, v19;
	v21 =	vmul.f32 v29, v15;
	v29 =	vmul.f32 v30, v16  }
0x5e: {  	v23 =	vadd.f32 v24, v23;
	v22 =	vmul.f32 v33, v17;
	v30 =	vmul.f32 v34, v18  }
0x5f: {  	v24 =	vadd.f32 v26, v25;
	v25 =	vadd.f32 v28, v27  }
0x60: {  	v21 =	vadd.f32 v29, v21;
	v22 =	vadd.f32 v30, v22  }
0x61: {  	v20 =	vadd.f32 v20, v31;
	v19 =	vadd.f32 v23, v19  }
0x62: {  	v23 =	vadd.f32 v25, v24;
	v21 =	vadd.f32 v22, v21;
	_ =	sdelay $0x1  }
0x63: {  	v19 =	vadd.f32 v19, v20;
	v20 =	vadd.f32 v21, v23;
	_ =	sdelay $0x1  }
0x64: {  	s17 =	sadd.s32 $0x80, s17;
	s20 =	sadd.s32 s16, s18;
	v19 =	vadd.f32 v20, v19  }
0x65: {  	s16 =	sand.u32 $0x1C00, s17;
	s21 =	sadd.s32 s15, s20;
	s15 =	sand.u32 $0x70, s19  }
0x66: {  	s20 =	sor.u32 s15, s16;
	[tilespmem:s21+$0x0] =	vst v19  }
0x67: {  	v30 =	vld [tilespmem:s20+$0x4800]  }
0x68: {  	v32 =	vld [tilespmem:s20+$0x4880]  }
0x69: {  	v20 =	vld [tilespmem:s20+$0x4900]  }
0x6a: {  	v21 =	vld [tilespmem:s20+$0x4980]  }
0x6b: {  	v19 =	vld [tilespmem:s20+$0x4A00]  }
0x6c: {  	s21 =	sor.u32 s17, s19;
	v22 =	vld [tilespmem:s20+$0x4A80]  }
0x6d: {  	s21 =	sor.u32 $0x380, s21;
	v23 =	vld [tilespmem:s20+$0x4B00]  }
0x6e: {  	v24 =	vld [tilespmem:s21+$0x4800]  }
0x6f: {  	v25 =	vld [tilespmem:s20+$0x6800]  }
.Ltmp0:
0x70: {  	v26 =	vld [tilespmem:s20+$0x6880];
	(pc) =	sbr.rel @p0 .LBB2_3-.Ltmp0, $4  }
0x71: {  	v27 =	vld [tilespmem:s20+$0x6900]  }
0x72: {  	v28 =	vld [tilespmem:s20+$0x6980]  }
0x73: {  	v29 =	vld [tilespmem:s20+$0x6A00]  }
0x74: {  	s19 =	sadd.s32 $0x10, s19;
	v31 =	vmul.f32 v30, v3;
	v32 =	vmul.f32 v32, v4;
	v30 =	vld [tilespmem:s20+$0x6A80]  }
0x75: {  	v3 =	vmul.f32 v20, v5;
	v4 =	vmul.f32 v21, v6;
	v5 =	vld [tilespmem:s20+$0x6B00]  }
0x76: {  	v6 =	vmul.f32 v19, v7;
	v7 =	vmul.f32 v22, v8;
	v8 =	vld [tilespmem:s20+$0x6B80]  }
0x77: {  	v9 =	vmul.f32 v23, v9;
	v10 =	vmul.f32 v24, v10  }
0x78: {  	v11 =	vmul.f32 v25, v11;
	v12 =	vmul.f32 v26, v12;
	v19 =	vadd.f32 v32, v31  }
0x79: {  	v13 =	vmul.f32 v27, v13;
	v14 =	vmul.f32 v28, v14;
	v3 =	vadd.f32 v4, v3  }
0x7a: {  	v6 =	vadd.f32 v7, v6;
	v4 =	vmul.f32 v29, v15;
	v15 =	vmul.f32 v30, v16  }
0x7b: {  	v5 =	vmul.f32 v5, v17;
	v7 =	vmul.f32 v8, v18;
	v8 =	vadd.f32 v10, v9  }
0x7c: {  	v9 =	vadd.f32 v12, v11;
	v10 =	vadd.f32 v14, v13  }
0x7d: {  	v4 =	vadd.f32 v15, v4;
	v5 =	vadd.f32 v7, v5  }
0x7e: {  	v3 =	vadd.f32 v3, v19;
	v6 =	vadd.f32 v8, v6  }
0x7f: {  	v7 =	vadd.f32 v10, v9;
	v4 =	vadd.f32 v5, v4;
	_ =	sdelay $0x1  }
0x80: {  	v3 =	vadd.f32 v6, v3;
	v4 =	vadd.f32 v4, v7;
	_ =	sdelay $0x1  }
0x81: {  	s16 =	sadd.s32 s16, s18;
	p0 =	seq.s32 s13, $0x3F;
	v3 =	vadd.f32 v4, v3  }
0x82: {  	s15 =	sadd.s32 s15, s16;
	s16 =	sshll.u32 @!p0 s13, $0x5  }
0x83: {  	[tilespmem:s15+$0x0] =	vst v3;
	s15 =	sand.u32 @!p0 $0x3FFFFFE0, s16  }
0x84: {  	v3 =	vld @!p0 [tilespmem:s15+$0x20];
	_ =	sdelay $0x4  }
0x85: {  	v4 =	vshll.u32 @!p0 v3, $0x3  }
0x86: {  	v5 =	vlaneseq.u32 @!p0;
	v3 =	vand.u32 @!p0 $0x7, v3;
	v4 =	vand.u32 @!p0 $0xFFFFFFC0, v4  }
0x87: {  	v6 =	vshrl.u32 @!p0 v5, $0x3;
	v3 =	vor.u32 @!p0 v3, v4;
	v4 =	vand.u32 @!p0 $0x7, v5  }
0x88: {  	v6 =	vmul.u32 @!p0 $0x8, v6;
	v4 =	vperm.xlane @!p0 v3, v4;
	_ =	sdelay $0x1  }
0x89: {  	v4 =	vadd.s32 @!p0 v6, v4;
	_ =	sdelay $0x3  }
0x8a: {  	vm1 =	vmmov @!p0 $0xffff;
	s16 =	simm.s32 @!p0 $0x4800;
	s15 =	simm.s32 @!p0 $0x0  }
0x8b: {  	v5 =	vor.u32 @!p0 $0x8, v5;
	[tilespmem:s16], [sflag:$0x1] =	stream.indirect_vreg.gather @!p0 [hbm4b:s1+s15], $0x80, v4, vm1, $0xb8;
	[tilespmem:$0xE800] =	vst v63  }
0x8c: {  	v3 =	vperm.xlane @!p0 v3, v5;
	s16 =	simm.s32 @!p0 $0x5000  }
0x8d: {  	[tilespmem:s16], [sflag:$0x1] =	stream.indirect_vreg.gather @!p0 [hbm4b:s7+s15], $0x80, v4, vm1, $0xb8;
	[tilespmem:$0xE800] =	vst v63  }
0x8e: {  	v3 =	vadd.s32 @!p0 v6, v3;
	s16 =	simm.s32 @!p0 $0x5800  }
0x8f: {  	[tilespmem:s16], [sflag:$0x1] =	stream.indirect_vreg.gather @!p0 [hbm4b:s8+s15], $0x80, v4, vm1, $0xb8;
	[tilespmem:$0xE800] =	vst v63  }
0x90: {  	s16 =	simm.s32 @!p0 $0x6000  }
0x91: {  	[tilespmem:s16], [sflag:$0x1] =	stream.indirect_vreg.gather @!p0 [hbm4b:s9+s15], $0x80, v4, vm1, $0xb8;
	[tilespmem:$0xE800] =	vst v63  }
0x92: {  	s16 =	simm.s32 @!p0 $0x6800  }
0x93: {  	[tilespmem:s16], [sflag:$0x1] =	stream.indirect_vreg.gather @!p0 [hbm4b:s1+s15], $0x80, v3, vm1, $0xb8;
	[tilespmem:$0xE800] =	vst v63  }
0x94: {  	s16 =	simm.s32 @!p0 $0x7000  }
0x95: {  	[tilespmem:s16], [sflag:$0x1] =	stream.indirect_vreg.gather @!p0 [hbm4b:s7+s15], $0x80, v3, vm1, $0xb8;
	[tilespmem:$0xE800] =	vst v63  }
0x96: {  	s16 =	simm.s32 @!p0 $0x7800  }
0x97: {  	[tilespmem:s16], [sflag:$0x1] =	stream.indirect_vreg.gather @!p0 [hbm4b:s8+s15], $0x80, v3, vm1, $0xb8;
	[tilespmem:$0xE800] =	vst v63  }
0x98: {  	s16 =	simm.s32 @!p0 $0x8000  }
0x99: {  	[tilespmem:s16], [sflag:$0x1] =	stream.indirect_vreg.gather @!p0 [hbm4b:s9+s15], $0x80, v3, vm1, $0xb8;
	[tilespmem:$0xE800] =	vst v63  }
0x9a: {  	s18 =	sshll.u32 s14, $0x7;
	_ =	swait.ge [sflag:s0], $0x4000  }
0x9b: {  	s17 =	simm.s32 $0x0;
	s19 =	sand.u32 $0x3FFFFF80, s18;
	[sflag:s0] =	ssyncset.done $0x0  }
0x9c: {  	s15 =	sand.u32 $0x70, s17;
	s16 =	sand.u32 $0x1C00, s17;
	[sflag:s0] =	ssyncadd.s32 $0xFFFFC000  }
0x9d: {  	s20 =	sor.u32 s15, s16;
	v18 =	vld [tilespmem:s19+$0x800]  }
0x9e: {  	v30 =	vld [tilespmem:s20+$0x8800]  }
0x9f: {  	v63 =	vld [tilespmem:s20+$0x8880]  }
0xa0: {  	v20 =	vld [tilespmem:s20+$0x8900]  }
0xa1: {  	v21 =	vld [tilespmem:s20+$0x8980]  }
0xa2: {  	v19 =	vld [tilespmem:s20+$0x8A00]  }
0xa3: {  	v22 =	vld [tilespmem:s20+$0x8A80];
	v3 =	vbroadcast v18, $0x0;
	v4 =	vbroadcast v18, $0x1  }
0xa4: {  	v23 =	vld [tilespmem:s20+$0x8B00];
	v5 =	vbroadcast v18, $0x2;
	v6 =	vbroadcast v18, $0x3  }
0xa5: {  	v25 =	vld [tilespmem:s20+$0xA800];
	v7 =	vbroadcast v18, $0x4;
	v8 =	vbroadcast v18, $0x5  }
0xa6: {  	v26 =	vld [tilespmem:s20+$0xA880];
	v9 =	vbroadcast v18, $0x6;
	v10 =	vbroadcast v18, $0x7  }
0xa7: {  	s21 =	sor.u32 s17, s17;
	v27 =	vld [tilespmem:s20+$0xA900];
	v11 =	vbroadcast v18, $0x8;
	v12 =	vbroadcast v18, $0x9  }
0xa8: {  	s19 =	sor.u32 $0x380, s21;
	v28 =	vld [tilespmem:s20+$0xA980];
	v13 =	vbroadcast v18, $0xA;
	v14 =	vbroadcast v18, $0xB  }
0xa9: {  	v24 =	vld [tilespmem:s19+$0x8800];
	v15 =	vbroadcast v18, $0xC;
	v16 =	vbroadcast v18, $0xD  }
0xaa: {  	s18 =	sand.u32 $0x380, s18;
	v29 =	vld [tilespmem:s20+$0xAA00];
	v17 =	vbroadcast v18, $0xE;
	v18 =	vbroadcast v18, $0xF  }
0xab: {  	s18 =	sor.u32 $0xC800, s18;
	s19 =	simm.s32 $0x10;
	v31 =	vmul.f32 v30, v3;
	v32 =	vmul.f32 v63, v4;
	v30 =	vld [tilespmem:s20+$0xAA80]  }
.LBB2_5:
0xac: {  	p0 =	sne.s32 s19, $0x3F0;
	v20 =	vmul.f32 v20, v5;
	v21 =	vmul.f32 v21, v6;
	v33 =	vld [tilespmem:s20+$0xAB00]  }
0xad: {  	v19 =	vmul.f32 v19, v7;
	v22 =	vmul.f32 v22, v8;
	v34 =	vld [tilespmem:s20+$0xAB80]  }
0xae: {  	v23 =	vmul.f32 v23, v9;
	v24 =	vmul.f32 v24, v10  }
0xaf: {  	v25 =	vmul.f32 v25, v11;
	v26 =	vmul.f32 v26, v12;
	v31 =	vadd.f32 v32, v31  }
0xb0: {  	v27 =	vmul.f32 v27, v13;
	v28 =	vmul.f32 v28, v14;
	v20 =	vadd.f32 v21, v20  }
0xb1: {  	v19 =	vadd.f32 v22, v19;
	v21 =	vmul.f32 v29, v15;
	v29 =	vmul.f32 v30, v16  }
0xb2: {  	v23 =	vadd.f32 v24, v23;
	v22 =	vmul.f32 v33, v17;
	v30 =	vmul.f32 v34, v18  }
0xb3: {  	v24 =	vadd.f32 v26, v25;
	v25 =	vadd.f32 v28, v27  }
0xb4: {  	v21 =	vadd.f32 v29, v21;
	v22 =	vadd.f32 v30, v22  }
0xb5: {  	v20 =	vadd.f32 v20, v31;
	v19 =	vadd.f32 v23, v19  }
0xb6: {  	v23 =	vadd.f32 v25, v24;
	v21 =	vadd.f32 v22, v21;
	_ =	sdelay $0x1  }
0xb7: {  	v19 =	vadd.f32 v19, v20;
	v20 =	vadd.f32 v21, v23;
	_ =	sdelay $0x1  }
0xb8: {  	s17 =	sadd.s32 $0x80, s17;
	s20 =	sadd.s32 s16, s18;
	v19 =	vadd.f32 v20, v19  }
0xb9: {  	s16 =	sand.u32 $0x1C00, s17;
	s21 =	sadd.s32 s15, s20;
	s15 =	sand.u32 $0x70, s19  }
0xba: {  	s20 =	sor.u32 s15, s16;
	[tilespmem:s21+$0x0] =	vst v19  }
0xbb: {  	v30 =	vld [tilespmem:s20+$0x8800]  }
0xbc: {  	v32 =	vld [tilespmem:s20+$0x8880]  }
0xbd: {  	v20 =	vld [tilespmem:s20+$0x8900]  }
0xbe: {  	v21 =	vld [tilespmem:s20+$0x8980]  }
0xbf: {  	v19 =	vld [tilespmem:s20+$0x8A00]  }
0xc0: {  	s21 =	sor.u32 s17, s19;
	v22 =	vld [tilespmem:s20+$0x8A80]  }
0xc1: {  	s21 =	sor.u32 $0x380, s21;
	v23 =	vld [tilespmem:s20+$0x8B00]  }
0xc2: {  	v24 =	vld [tilespmem:s21+$0x8800]  }
0xc3: {  	v25 =	vld [tilespmem:s20+$0xA800]  }
.Ltmp1:
0xc4: {  	v26 =	vld [tilespmem:s20+$0xA880];
	(pc) =	sbr.rel @p0 .LBB2_5-.Ltmp1, $4  }
0xc5: {  	v27 =	vld [tilespmem:s20+$0xA900]  }
0xc6: {  	v28 =	vld [tilespmem:s20+$0xA980]  }
0xc7: {  	v29 =	vld [tilespmem:s20+$0xAA00]  }
0xc8: {  	s19 =	sadd.s32 $0x10, s19;
	v31 =	vmul.f32 v30, v3;
	v32 =	vmul.f32 v32, v4;
	v30 =	vld [tilespmem:s20+$0xAA80]  }
0xc9: {  	v3 =	vmul.f32 v20, v5;
	v4 =	vmul.f32 v21, v6;
	v52 =	vld [tilespmem:s20+$0xAB00]  }
0xca: {  	v53 =	vmul.f32 v19, v7;
	v54 =	vmul.f32 v22, v8;
	v55 =	vld [tilespmem:s20+$0xAB80]  }
0xcb: {  	v9 =	vmul.f32 v23, v9;
	v10 =	vmul.f32 v24, v10  }
0xcc: {  	v11 =	vmul.f32 v25, v11;
	v12 =	vmul.f32 v26, v12;
	v56 =	vadd.f32 v32, v31  }
0xcd: {  	v13 =	vmul.f32 v27, v13;
	v14 =	vmul.f32 v28, v14;
	v3 =	vadd.f32 v4, v3  }
0xce: {  	v6 =	vadd.f32 v54, v53;
	v57 =	vmul.f32 v29, v15;
	v58 =	vmul.f32 v30, v16  }
0xcf: {  	v60 =	vadd.f32 v10, v9;
	v5 =	vmul.f32 v52, v17;
	v59 =	vmul.f32 v55, v18  }
0xd0: {  	v61 =	vadd.f32 v12, v11;
	v62 =	vadd.f32 v14, v13  }
0xd1: {  	v4 =	vadd.f32 v58, v57;
	v5 =	vadd.f32 v59, v5  }
0xd2: {  	v3 =	vadd.f32 v3, v56;
	v6 =	vadd.f32 v60, v6  }
0xd3: {  	v63 =	vadd.f32 v62, v61;
	v4 =	vadd.f32 v5, v4  }
0xd4: {  	s17 =	sand.u32 $0x3, s13  }
0xd5: {  	p0 =	sne.s32 s17, $0x3;
	v3 =	vadd.f32 v6, v3;
	v4 =	vadd.f32 v4, v63  }
0xd6: {  	s14 =	sshll.u32 @!p0 s14, $0xA  }
0xd7: {  	s16 =	sadd.s32 s16, s18;
	s13 =	sadd.s32 $0x1, s13;
	s14 =	sadd.s32 @!p0 s14, s10;
	v3 =	vadd.f32 v4, v3  }
0xd8: {  	s15 =	sadd.s32 s15, s16;
	p1 =	sne.s32 s13, $0x40;
	s14 =	sshrl.u32 @!p0 s14, $0x3  }
0xd9: {  	s16 =	simm.s32 @!p0 $0xC800;
	s14 =	sadd.s32 @!p0 s3, s14;
	[tilespmem:s15+$0x0] =	vst v3;
	s15 =	simm.s32 @!p0 $0x0  }
0xda: {  	[hbm4b:s14+s15] =	stream.linear.scatter @!p0 [tilespmem:s16], [sflag:$0x3], $0x2000, $0x38;
	[tilespmem:$0xE800] =	vst v63  }
.Ltmp2:
0xdb: {  	_ = 	snop;
	(pc) =	sbr.rel @p1 .LBB2_2-.Ltmp2, $4  }
0xdc: {  	s14 =	simm.s32 @!p0 $0x3  }
0xdd: {  	_ =	swait.ge @!p0 [sflag:s14], $0x2000  }
0xde: {  	[sflag:s14] =	ssyncset.done @!p0 $0x0  }
0xdf: {  	[sflag:s14] =	ssyncadd.s32 @!p0 $0xFFFFE000  }
0xe0: {  	s2 =	sadd.s32 $0x1, s2  }
0xe1: {  	p0 =	sne.s32 s2, s11  }
.Ltmp3:
0xe2: {  	_ = 	snop;
	(pc) =	sbr.rel @p0 .LBB2_1-.Ltmp3, $1  }
0xe3: {  	_ =	sdelay $0x3  }
0xe4: {  	_ =	sfence.sel $0x180000  }
0xe5: {  	[bflag:$0x0] =	sbarrier.arrive $0xFFFF  }
0xe6: {  	_ =	strace $0x90000047  }
0xe7: {  	s0 =	stileid.u32;
	[bflag:$0x2] =	sbarrier.arrive $0xFFFF  }
0xe8: {  	p0 =	sne.s32 s0, $0x0;
	s0 =	rddreg [dreg:$0x3]  }
0xe9: {  	s0 =	sadd.s32 @!p0 $0x100000, s0  }
0xea: {  	[sflag:s0] =	ssyncadd.tile.s32 @!p0 $0x1;
	_ =	shalt  }
.Lfunc_end2:
_tile_overlayer_lowered:
.L_overlay_start_2:
0xeb: {  	(tag) =	ssettag $0x2  }
0xec: {  	s0 =	rddreg [dreg:$0x0];
	s2 =	stileid.u32  }
0xed: {  	s1 =	rddreg [dreg:$0x1];
	p0 =	sne.s32 s2, $0x0  }
0xee: {  	s3 =	rddreg [dreg:$0x2];
	[bflag:$0x3] =	sbarrier.arrive $0xFFFF;
	s2 =	simm.s32 @!p0 $0x1C03  }
0xef: {  	[timem:s3], [sflag:s2] =	dma.local @!p0 [hbm:s0], s1  }
0xf0: {  	s0 =	simm.s32 @!p0 $0x3  }
0xf1: {  	_ =	swait.ge @!p0 [sflag:s0], s1  }
0xf2: {  	s1 =	ssub.s32 @!p0 $0x0, s1;
	[sflag:s0] =	ssyncset.done @!p0 $0x0  }
0xf3: {  	[sflag:s0] =	ssyncadd.s32 @!p0 s1  }
0xf4: {  	[bflag:$0x3] =	sbarrier.arrive $0xFFFF  }
0xf5: {  	_ =	shalt  }

</sc_bundles>
